<compile_context>
chip_gen: v7x
topology: tpu7x:2x2x1
jax: 0.10.2.dev20260603
libtpu: 0.0.44.dev20260713+nightly
codegen_flags: <defaults>
</compile_context>

<pallas_src>
import functools

import jax
import jax.numpy as jnp
from jax import lax
from jax.experimental import pallas as pl
from jax.experimental.pallas import tpu as pltpu
from jax.experimental.pallas import tpu_sc as plsc

_K = 8192
_D = 32
_BETA = 0.05
_M = 256
_NC = 2
_NS = 16
_RPW = _K // _NS


def _vq_tile(z_ref, e_ref, z2_ref, e2_ref, idx_ref, loss_ref):
    i = pl.program_id(0)
    z = z_ref[...]
    e = e_ref[...]
    mm = lax.dot_general(z, e, (((1,), (1,)), ((), ())),
                         preferred_element_type=jnp.float32)
    dist = (z2_ref[...] + e2_ref[...]) - 2.0 * mm
    h = _K // 2
    d1, d2 = dist[:, :h], dist[:, h:]
    mv1 = jnp.min(d1, axis=1, keepdims=True)
    mv2 = jnp.min(d2, axis=1, keepdims=True)
    iota = lax.broadcasted_iota(jnp.int32, (_M, h), 1)
    mi1 = jnp.min(jnp.where(d1 == mv1, iota, h), axis=1)
    mi2 = jnp.min(jnp.where(d2 == mv2, iota, h), axis=1) + h
    m1b = mv1.astype(jnp.bfloat16).astype(jnp.float32)
    take1 = m1b <= mv2
    idx_ref[...] = jnp.where(take1[:, 0], mi1, mi2)
    minval = jnp.where(take1, mv1, mv2)
    tile_loss = jnp.sum(minval).reshape(1, 1)

    @pl.when(i == 0)
    def _init():
        loss_ref[...] = tile_loss

    @pl.when(i != 0)
    def _acc():
        loss_ref[...] += tile_loss


def _sc_gather_hist(emb_ref, idx2_ref, q3_ref, cnt_ref,
                    idx_v, rows_v, ones_v, zeros_v, shared_cnt, cnt_copy,
                    sem):
    s = lax.axis_index("s")
    wid = s
    nch = _RPW // 128
    pltpu.sync_copy(idx2_ref.at[pl.ds(wid * nch, nch)], idx_v)
    cps = [pltpu.async_copy(emb_ref.at[idx_v.at[j]], rows_v.at[j], sem)
           for j in range(nch)]
    for i in range(_K // _NS // 16):
        zeros_v[pl.ds(i * 16, 16)] = jnp.zeros((16,), jnp.float32)
    for i in range(8):
        ones_v[pl.ds(i * 16, 16)] = jnp.ones((16,), jnp.float32)
    pltpu.sync_copy(zeros_v, shared_cnt.at[pl.ds(s * (_K // _NS), _K // _NS)])
    plsc.subcore_barrier()
    for j in range(nch):
        pltpu.sync_copy(ones_v, shared_cnt.at[idx_v.at[j]], add=True)
    for cp in cps:
        cp.wait()
    pltpu.sync_copy(rows_v, q3_ref.at[pl.ds(wid * nch, nch)])
    plsc.subcore_barrier()

    @pl.when(s == 0)
    def _drain():
        pltpu.sync_copy(shared_cnt, cnt_copy)
        pltpu.sync_copy(cnt_copy, cnt_ref.at[0])


def _finalize(cnt_ref, loss_ref, vq_ref, perp_ref):
    n = jnp.float32(_K)
    p = cnt_ref[0:1, :] / n
    ent = jnp.sum(p * jnp.log(p + 1e-10))
    perp_ref[...] = jnp.exp(-ent).reshape(1, 1)
    m = loss_ref[0, 0] / jnp.float32(_K * _D)
    vq_ref[...] = (m * _BETA + m).reshape(1, 1)


def kernel(latents, embedding):
    shape = latents.shape
    flat = latents.reshape(-1, _D)
    n = flat.shape[0]
    grid = n // _M
    z2 = jnp.sum(flat ** 2, axis=1, keepdims=True)
    e2 = jnp.sum(embedding ** 2, axis=1).reshape(1, _K)

    idx, loss_sum = pl.pallas_call(
        _vq_tile,
        grid=(grid,),
        in_specs=[
            pl.BlockSpec((_M, _D), lambda i: (i, 0)),
            pl.BlockSpec((_K, _D), lambda i: (0, 0)),
            pl.BlockSpec((_M, 1), lambda i: (i, 0)),
            pl.BlockSpec((1, _K), lambda i: (0, 0)),
        ],
        out_specs=[
            pl.BlockSpec((_M,), lambda i: (i,)),
            pl.BlockSpec((1, 1), lambda i: (0, 0)),
        ],
        out_shape=[
            jax.ShapeDtypeStruct((n,), jnp.int32),
            jax.ShapeDtypeStruct((1, 1), jnp.float32),
        ],
        compiler_params=pltpu.CompilerParams(
            dimension_semantics=("arbitrary",)),
    )(flat, embedding, z2, e2)

    emb_pad = jnp.pad(embedding, ((0, 0), (0, 128 - _D)))
    idx2 = idx.reshape(n // 128, 128)
    mesh = plsc.VectorSubcoreMesh(core_axis_name="c", subcore_axis_name="s",
                                  num_cores=1)
    q3, cnt2 = pl.kernel(
        _sc_gather_hist,
        out_type=[
            jax.ShapeDtypeStruct((n // 128, 128, 128), jnp.float32),
            jax.ShapeDtypeStruct((1, _K), jnp.float32),
        ],
        mesh=mesh,
        scratch_types=[
            pltpu.VMEM((_RPW // 128, 128), jnp.int32),
            pltpu.VMEM((_RPW // 128, 128, 128), jnp.float32),
            pltpu.VMEM((128,), jnp.float32),
            pltpu.VMEM((_K // _NS,), jnp.float32),
            pltpu.VMEM_SHARED((_K,), jnp.float32),
            pltpu.VMEM((_K,), jnp.float32),
            pltpu.SemaphoreType.DMA,
        ],
    )(emb_pad, idx2)
    q = q3.reshape(n, 128)[:, :_D]

    vq_loss, perp = pl.pallas_call(
        _finalize,
        out_shape=[
            jax.ShapeDtypeStruct((1, 1), jnp.float32),
            jax.ShapeDtypeStruct((1, 1), jnp.float32),
        ],
    )(cnt2, loss_sum)

    return (q.reshape(shape), vq_loss[0, 0],
            idx.reshape(shape[0], shape[1]), embedding, perp[0, 0])

# --- scband reference (transcript-rebuilt; emitter-appended) ---
"""Pipeline reference for scband-vector-quantizer-3813930959336 (READ-ONLY COPY).

The authoritative reference and input builder live on the scoring server;
editing this copy changes nothing except your own understanding.
"""

import jax, jax.numpy as jnp
import numpy as np

K = 8192
D = 32
BETA = 0.05


def setup_inputs(seed: int = 0) -> dict:
    key = jax.random.key(seed)
    k1, k2 = jax.random.split(key)
    latents = jax.random.normal(k1, (8, 1024, D), dtype=jnp.float32)
    # embedding.weight.data.normal_(0.8, 0.1)
    embedding = 0.8 + 0.1 * jax.random.normal(k2, (K, D), dtype=jnp.float32)
    return {"latents": latents, "embedding": embedding}


def reference(latents, embedding):
    latents_shape = latents.shape
    flat_latents = latents.reshape(-1, D)
    dist = (jnp.sum(flat_latents ** 2, axis=1, keepdims=True)
            + jnp.sum(embedding ** 2, axis=1)
            - 2.0 * jnp.matmul(flat_latents, embedding.T))
    encoding_inds = jnp.argmin(dist, axis=1)
    output_inds = encoding_inds.reshape(latents_shape[0], latents_shape[1])
    n = flat_latents.shape[0]
    # scatter-overwrite one-hot (maps to SparseCore scatter)
    encoding_one_hot = jnp.zeros((n, K), dtype=jnp.float32).at[jnp.arange(n), encoding_inds].set(1.0)
    quantized_latents = jnp.matmul(encoding_one_hot, embedding)
    quantized_latents = quantized_latents.reshape(latents_shape)
    commitment_loss = jnp.mean((jax.lax.stop_gradient(quantized_latents) - latents) ** 2)
    embedding_loss = jnp.mean((quantized_latents - jax.lax.stop_gradient(latents)) ** 2)
    vq_loss = commitment_loss * BETA + embedding_loss
    quantized_st = latents + jax.lax.stop_gradient(quantized_latents - latents)
    avg_probs = jnp.mean(encoding_one_hot, axis=0)
    perplexity = jnp.exp(-jnp.sum(avg_probs * jnp.log(avg_probs + 1e-10)))
    return (quantized_st, vq_loss, output_inds, embedding, perplexity)

if __name__ == "__main__":
    import jax
    _d = setup_inputs()
    print(jax.jit(kernel)(*tuple(_d.values())))

</pallas_src>

<mosaic_0001>
#map = affine_map<(d0, d1) -> (0, 0)>
#map1 = affine_map<(d0, d1) -> (0, 0, 0)>
module attributes {stable_mosaic.version = 14 : i64} {
  func.func @_sc_gather_hist(%arg0: i32, %arg1: i32, %arg2: memref<8192x128xf32, #tpu.memory_space<hbm>>, %arg3: memref<64x128xi32, #tpu.memory_space<hbm>>, %arg4: memref<64x128x128xf32, #tpu.memory_space<hbm>>, %arg5: memref<1x8192xf32, #tpu.memory_space<hbm>>, %arg6: memref<4x128xi32, #tpu.memory_space<vmem>>, %arg7: memref<4x128x128xf32, #tpu.memory_space<vmem>>, %arg8: memref<128xf32, #tpu.memory_space<vmem>>, %arg9: memref<512xf32, #tpu.memory_space<vmem>>, %arg10: memref<8192xf32, #tpu.memory_space<vmem_shared>>, %arg11: memref<8192xf32, #tpu.memory_space<vmem>>, %arg12: memref<!tpu.dma_semaphore, #tpu.memory_space<semaphore_mem>>) attributes {dimension_semantics = [#tpu.dimension_semantics<core_parallel>, #tpu.dimension_semantics<subcore_parallel>], iteration_bounds = array<i64: 1, 16>, scalar_prefetch = 0 : i64, scratch_operands = 7 : i64, tpu.core_type = #tpu.core_type<sc_vector_subcore>, window_params = [{transform_indices = #map}, {transform_indices = #map}, {transform_indices = #map1}, {transform_indices = #map}]} {
    %mul3A = arith.constant 4 : i32
    %mul3A_0 = arith.muli %arg1, %mul3A : i32
    "tpu.region"() ({
      %run_scoped3A_343 = tpu.sem_alloc : memref<!tpu.dma_semaphore, #tpu.memory_space<semaphore_mem>>
      %dma_start3A_344 = arith.constant 0 : i32
      %dma_start3A_345 = tpu.memref_slice %arg3[%mul3A_0, %dma_start3A_344] : memref<64x128xi32, #tpu.memory_space<hbm>> -> memref<4x128xi32, #tpu.memory_space<hbm>>
      %dma_start3A_346 = arith.constant 0 : i32
      %dma_start3A_347 = tpu.memref_slice %arg3[%mul3A_0, %dma_start3A_346] : memref<64x128xi32, #tpu.memory_space<hbm>> -> memref<4x128xi32, #tpu.memory_space<hbm>>
      tpu.enqueue_dma source(%dma_start3A_347 : memref<4x128xi32, #tpu.memory_space<hbm>>) target(%arg6 : memref<4x128xi32, #tpu.memory_space<vmem>>) target_semaphore(%run_scoped3A_343 : memref<!tpu.dma_semaphore, #tpu.memory_space<semaphore_mem>>)
      %dma_wait3A_348 = arith.constant 0 : i32
      %dma_wait3A_349 = tpu.memref_slice %arg3[%mul3A_0, %dma_wait3A_348] : memref<64x128xi32, #tpu.memory_space<hbm>> -> memref<4x128xi32, #tpu.memory_space<hbm>>
      %dma_wait3A_350 = arith.constant 0 : i32
      %dma_wait3A_351 = tpu.memref_slice %arg3[%mul3A_0, %dma_wait3A_350] : memref<64x128xi32, #tpu.memory_space<hbm>> -> memref<4x128xi32, #tpu.memory_space<hbm>>
      tpu.wait_dma2 semaphore(%run_scoped3A_343 : memref<!tpu.dma_semaphore, #tpu.memory_space<semaphore_mem>>) src(%dma_wait3A_351 : memref<4x128xi32, #tpu.memory_space<hbm>>) dst(%arg6 : memref<4x128xi32, #tpu.memory_space<vmem>>)
      tpu.yield
    }) : () -> ()
    %dma_start3A = arith.constant 0 : i32
    %dma_start3A_1 = arith.constant 0 : i32
    %dma_start3A_2 = arith.constant 0 : i32
    %dma_start3A_3 = arith.constant 0 : i32
    %dma_start3A_4 = tpu.memref_slice %arg7[%dma_start3A_1, %dma_start3A_2, %dma_start3A_3] : memref<4x128x128xf32, #tpu.memory_space<vmem>> -> memref<1x128x128xf32, #tpu.memory_space<vmem>>
    %dma_start3A_5 = tpu.memref_squeeze %dma_start3A_4 : memref<1x128x128xf32, #tpu.memory_space<vmem>> -> memref<128x128xf32, #tpu.memory_space<vmem>>
    %dma_start3A_6 = arith.constant 0 : i32
    %dma_start3A_7 = tpu.memref_slice %arg6[%dma_start3A, %dma_start3A_6] : memref<4x128xi32, #tpu.memory_space<vmem>> -> memref<1x128xi32, #tpu.memory_space<vmem>>
    %dma_start3A_8 = tpu.memref_squeeze %dma_start3A_7 : memref<1x128xi32, #tpu.memory_space<vmem>> -> memref<128xi32, #tpu.memory_space<vmem>>
    %dma_start3A_9 = arith.constant 0 : i32
    %dma_start3A_10 = arith.constant 0 : i32
    %dma_start3A_11 = tpu.memref_slice %arg2[%dma_start3A_9, %dma_start3A_10] : memref<8192x128xf32, #tpu.memory_space<hbm>> -> memref<8192x128xf32, #tpu.memory_space<hbm>>
    tpu.enqueue_indirect_dma source(%dma_start3A_11 : memref<8192x128xf32, #tpu.memory_space<hbm>>) target(%dma_start3A_5 : memref<128x128xf32, #tpu.memory_space<vmem>>) offsets(%dma_start3A_8 : memref<128xi32, #tpu.memory_space<vmem>>) semaphore(%arg12 : memref<!tpu.dma_semaphore, #tpu.memory_space<semaphore_mem>>)
    %dma_start3A_12 = arith.constant 1 : i32
    %dma_start3A_13 = arith.constant 1 : i32
    %dma_start3A_14 = arith.constant 0 : i32
    %dma_start3A_15 = arith.constant 0 : i32
    %dma_start3A_16 = tpu.memref_slice %arg7[%dma_start3A_13, %dma_start3A_14, %dma_start3A_15] : memref<4x128x128xf32, #tpu.memory_space<vmem>> -> memref<1x128x128xf32, #tpu.memory_space<vmem>>
    %dma_start3A_17 = tpu.memref_squeeze %dma_start3A_16 : memref<1x128x128xf32, #tpu.memory_space<vmem>> -> memref<128x128xf32, #tpu.memory_space<vmem>>
    %dma_start3A_18 = arith.constant 0 : i32
    %dma_start3A_19 = tpu.memref_slice %arg6[%dma_start3A_12, %dma_start3A_18] : memref<4x128xi32, #tpu.memory_space<vmem>> -> memref<1x128xi32, #tpu.memory_space<vmem>>
    %dma_start3A_20 = tpu.memref_squeeze %dma_start3A_19 : memref<1x128xi32, #tpu.memory_space<vmem>> -> memref<128xi32, #tpu.memory_space<vmem>>
    %dma_start3A_21 = arith.constant 0 : i32
    %dma_start3A_22 = arith.constant 0 : i32
    %dma_start3A_23 = tpu.memref_slice %arg2[%dma_start3A_21, %dma_start3A_22] : memref<8192x128xf32, #tpu.memory_space<hbm>> -> memref<8192x128xf32, #tpu.memory_space<hbm>>
    tpu.enqueue_indirect_dma source(%dma_start3A_23 : memref<8192x128xf32, #tpu.memory_space<hbm>>) target(%dma_start3A_17 : memref<128x128xf32, #tpu.memory_space<vmem>>) offsets(%dma_start3A_20 : memref<128xi32, #tpu.memory_space<vmem>>) semaphore(%arg12 : memref<!tpu.dma_semaphore, #tpu.memory_space<semaphore_mem>>)
    %dma_start3A_24 = arith.constant 2 : i32
    %dma_start3A_25 = arith.constant 2 : i32
    %dma_start3A_26 = arith.constant 0 : i32
    %dma_start3A_27 = arith.constant 0 : i32
    %dma_start3A_28 = tpu.memref_slice %arg7[%dma_start3A_25, %dma_start3A_26, %dma_start3A_27] : memref<4x128x128xf32, #tpu.memory_space<vmem>> -> memref<1x128x128xf32, #tpu.memory_space<vmem>>
    %dma_start3A_29 = tpu.memref_squeeze %dma_start3A_28 : memref<1x128x128xf32, #tpu.memory_space<vmem>> -> memref<128x128xf32, #tpu.memory_space<vmem>>
    %dma_start3A_30 = arith.constant 0 : i32
    %dma_start3A_31 = tpu.memref_slice %arg6[%dma_start3A_24, %dma_start3A_30] : memref<4x128xi32, #tpu.memory_space<vmem>> -> memref<1x128xi32, #tpu.memory_space<vmem>>
    %dma_start3A_32 = tpu.memref_squeeze %dma_start3A_31 : memref<1x128xi32, #tpu.memory_space<vmem>> -> memref<128xi32, #tpu.memory_space<vmem>>
    %dma_start3A_33 = arith.constant 0 : i32
    %dma_start3A_34 = arith.constant 0 : i32
    %dma_start3A_35 = tpu.memref_slice %arg2[%dma_start3A_33, %dma_start3A_34] : memref<8192x128xf32, #tpu.memory_space<hbm>> -> memref<8192x128xf32, #tpu.memory_space<hbm>>
    tpu.enqueue_indirect_dma source(%dma_start3A_35 : memref<8192x128xf32, #tpu.memory_space<hbm>>) target(%dma_start3A_29 : memref<128x128xf32, #tpu.memory_space<vmem>>) offsets(%dma_start3A_32 : memref<128xi32, #tpu.memory_space<vmem>>) semaphore(%arg12 : memref<!tpu.dma_semaphore, #tpu.memory_space<semaphore_mem>>)
    %dma_start3A_36 = arith.constant 3 : i32
    %dma_start3A_37 = arith.constant 3 : i32
    %dma_start3A_38 = arith.constant 0 : i32
    %dma_start3A_39 = arith.constant 0 : i32
    %dma_start3A_40 = tpu.memref_slice %arg7[%dma_start3A_37, %dma_start3A_38, %dma_start3A_39] : memref<4x128x128xf32, #tpu.memory_space<vmem>> -> memref<1x128x128xf32, #tpu.memory_space<vmem>>
    %dma_start3A_41 = tpu.memref_squeeze %dma_start3A_40 : memref<1x128x128xf32, #tpu.memory_space<vmem>> -> memref<128x128xf32, #tpu.memory_space<vmem>>
    %dma_start3A_42 = arith.constant 0 : i32
    %dma_start3A_43 = tpu.memref_slice %arg6[%dma_start3A_36, %dma_start3A_42] : memref<4x128xi32, #tpu.memory_space<vmem>> -> memref<1x128xi32, #tpu.memory_space<vmem>>
    %dma_start3A_44 = tpu.memref_squeeze %dma_start3A_43 : memref<1x128xi32, #tpu.memory_space<vmem>> -> memref<128xi32, #tpu.memory_space<vmem>>
    %dma_start3A_45 = arith.constant 0 : i32
    %dma_start3A_46 = arith.constant 0 : i32
    %dma_start3A_47 = tpu.memref_slice %arg2[%dma_start3A_45, %dma_start3A_46] : memref<8192x128xf32, #tpu.memory_space<hbm>> -> memref<8192x128xf32, #tpu.memory_space<hbm>>
    tpu.enqueue_indirect_dma source(%dma_start3A_47 : memref<8192x128xf32, #tpu.memory_space<hbm>>) target(%dma_start3A_41 : memref<128x128xf32, #tpu.memory_space<vmem>>) offsets(%dma_start3A_44 : memref<128xi32, #tpu.memory_space<vmem>>) semaphore(%arg12 : memref<!tpu.dma_semaphore, #tpu.memory_space<semaphore_mem>>)
    %broadcast_in_dim3A = arith.constant 0.000000e+00 : f32
    %broadcast_in_dim3A_48 = vector.broadcast %broadcast_in_dim3A : f32 to vector<16xf32>
    %swap3A = arith.constant 0 : index
    %swap3A_49 = tpu.vector_load %arg9[%swap3A] {strides = array<i32>} : memref<512xf32, #tpu.memory_space<vmem>>, vector<16xf32>,
    %swap3A_50 = vector.shape_cast %swap3A_49 : vector<16xf32> to vector<16xf32>
    %swap3A_51 = vector.shape_cast %broadcast_in_dim3A_48 : vector<16xf32> to vector<16xf32>
    tpu.vector_store %arg9[%swap3A], %swap3A_51 {strides = array<i32>} : memref<512xf32, #tpu.memory_space<vmem>>, vector<16xf32>,
    %broadcast_in_dim3A_52 = arith.constant 0.000000e+00 : f32
    %broadcast_in_dim3A_53 = vector.broadcast %broadcast_in_dim3A_52 : f32 to vector<16xf32>
    %swap3A_54 = arith.constant 16 : index
    %swap3A_55 = tpu.vector_load %arg9[%swap3A_54] {strides = array<i32>} : memref<512xf32, #tpu.memory_space<vmem>>, vector<16xf32>,
    %swap3A_56 = vector.shape_cast %swap3A_55 : vector<16xf32> to vector<16xf32>
    %swap3A_57 = vector.shape_cast %broadcast_in_dim3A_53 : vector<16xf32> to vector<16xf32>
    tpu.vector_store %arg9[%swap3A_54], %swap3A_57 {strides = array<i32>} : memref<512xf32, #tpu.memory_space<vmem>>, vector<16xf32>,
    %broadcast_in_dim3A_58 = arith.constant 0.000000e+00 : f32
    %broadcast_in_dim3A_59 = vector.broadcast %broadcast_in_dim3A_58 : f32 to vector<16xf32>
    %swap3A_60 = arith.constant 32 : index
    %swap3A_61 = tpu.vector_load %arg9[%swap3A_60] {strides = array<i32>} : memref<512xf32, #tpu.memory_space<vmem>>, vector<16xf32>,
    %swap3A_62 = vector.shape_cast %swap3A_61 : vector<16xf32> to vector<16xf32>
    %swap3A_63 = vector.shape_cast %broadcast_in_dim3A_59 : vector<16xf32> to vector<16xf32>
    tpu.vector_store %arg9[%swap3A_60], %swap3A_63 {strides = array<i32>} : memref<512xf32, #tpu.memory_space<vmem>>, vector<16xf32>,
    %broadcast_in_dim3A_64 = arith.constant 0.000000e+00 : f32
    %broadcast_in_dim3A_65 = vector.broadcast %broadcast_in_dim3A_64 : f32 to vector<16xf32>
    %swap3A_66 = arith.constant 48 : index
    %swap3A_67 = tpu.vector_load %arg9[%swap3A_66] {strides = array<i32>} : memref<512xf32, #tpu.memory_space<vmem>>, vector<16xf32>,
    %swap3A_68 = vector.shape_cast %swap3A_67 : vector<16xf32> to vector<16xf32>
    %swap3A_69 = vector.shape_cast %broadcast_in_dim3A_65 : vector<16xf32> to vector<16xf32>
    tpu.vector_store %arg9[%swap3A_66], %swap3A_69 {strides = array<i32>} : memref<512xf32, #tpu.memory_space<vmem>>, vector<16xf32>,
    %broadcast_in_dim3A_70 = arith.constant 0.000000e+00 : f32
    %broadcast_in_dim3A_71 = vector.broadcast %broadcast_in_dim3A_70 : f32 to vector<16xf32>
    %swap3A_72 = arith.constant 64 : index
    %swap3A_73 = tpu.vector_load %arg9[%swap3A_72] {strides = array<i32>} : memref<512xf32, #tpu.memory_space<vmem>>, vector<16xf32>,
    %swap3A_74 = vector.shape_cast %swap3A_73 : vector<16xf32> to vector<16xf32>
    %swap3A_75 = vector.shape_cast %broadcast_in_dim3A_71 : vector<16xf32> to vector<16xf32>
    tpu.vector_store %arg9[%swap3A_72], %swap3A_75 {strides = array<i32>} : memref<512xf32, #tpu.memory_space<vmem>>, vector<16xf32>,
    %broadcast_in_dim3A_76 = arith.constant 0.000000e+00 : f32
    %broadcast_in_dim3A_77 = vector.broadcast %broadcast_in_dim3A_76 : f32 to vector<16xf32>
    %swap3A_78 = arith.constant 80 : index
    %swap3A_79 = tpu.vector_load %arg9[%swap3A_78] {strides = array<i32>} : memref<512xf32, #tpu.memory_space<vmem>>, vector<16xf32>,
    %swap3A_80 = vector.shape_cast %swap3A_79 : vector<16xf32> to vector<16xf32>
    %swap3A_81 = vector.shape_cast %broadcast_in_dim3A_77 : vector<16xf32> to vector<16xf32>
    tpu.vector_store %arg9[%swap3A_78], %swap3A_81 {strides = array<i32>} : memref<512xf32, #tpu.memory_space<vmem>>, vector<16xf32>,
    %broadcast_in_dim3A_82 = arith.constant 0.000000e+00 : f32
    %broadcast_in_dim3A_83 = vector.broadcast %broadcast_in_dim3A_82 : f32 to vector<16xf32>
    %swap3A_84 = arith.constant 96 : index
    %swap3A_85 = tpu.vector_load %arg9[%swap3A_84] {strides = array<i32>} : memref<512xf32, #tpu.memory_space<vmem>>, vector<16xf32>,
    %swap3A_86 = vector.shape_cast %swap3A_85 : vector<16xf32> to vector<16xf32>
    %swap3A_87 = vector.shape_cast %broadcast_in_dim3A_83 : vector<16xf32> to vector<16xf32>
    tpu.vector_store %arg9[%swap3A_84], %swap3A_87 {strides = array<i32>} : memref<512xf32, #tpu.memory_space<vmem>>, vector<16xf32>,
    %broadcast_in_dim3A_88 = arith.constant 0.000000e+00 : f32
    %broadcast_in_dim3A_89 = vector.broadcast %broadcast_in_dim3A_88 : f32 to vector<16xf32>
    %swap3A_90 = arith.constant 112 : index
    %swap3A_91 = tpu.vector_load %arg9[%swap3A_90] {strides = array<i32>} : memref<512xf32, #tpu.memory_space<vmem>>, vector<16xf32>,
    %swap3A_92 = vector.shape_cast %swap3A_91 : vector<16xf32> to vector<16xf32>
    %swap3A_93 = vector.shape_cast %broadcast_in_dim3A_89 : vector<16xf32> to vector<16xf32>
    tpu.vector_store %arg9[%swap3A_90], %swap3A_93 {strides = array<i32>} : memref<512xf32, #tpu.memory_space<vmem>>, vector<16xf32>,
    %broadcast_in_dim3A_94 = arith.constant 0.000000e+00 : f32
    %broadcast_in_dim3A_95 = vector.broadcast %broadcast_in_dim3A_94 : f32 to vector<16xf32>
    %swap3A_96 = arith.constant 128 : index
    %swap3A_97 = tpu.vector_load %arg9[%swap3A_96] {strides = array<i32>} : memref<512xf32, #tpu.memory_space<vmem>>, vector<16xf32>,
    %swap3A_98 = vector.shape_cast %swap3A_97 : vector<16xf32> to vector<16xf32>
    %swap3A_99 = vector.shape_cast %broadcast_in_dim3A_95 : vector<16xf32> to vector<16xf32>
    tpu.vector_store %arg9[%swap3A_96], %swap3A_99 {strides = array<i32>} : memref<512xf32, #tpu.memory_space<vmem>>, vector<16xf32>,
    %broadcast_in_dim3A_100 = arith.constant 0.000000e+00 : f32
    %broadcast_in_dim3A_101 = vector.broadcast %broadcast_in_dim3A_100 : f32 to vector<16xf32>
    %swap3A_102 = arith.constant 144 : index
    %swap3A_103 = tpu.vector_load %arg9[%swap3A_102] {strides = array<i32>} : memref<512xf32, #tpu.memory_space<vmem>>, vector<16xf32>,
    %swap3A_104 = vector.shape_cast %swap3A_103 : vector<16xf32> to vector<16xf32>
    %swap3A_105 = vector.shape_cast %broadcast_in_dim3A_101 : vector<16xf32> to vector<16xf32>
    tpu.vector_store %arg9[%swap3A_102], %swap3A_105 {strides = array<i32>} : memref<512xf32, #tpu.memory_space<vmem>>, vector<16xf32>,
    %broadcast_in_dim3A_106 = arith.constant 0.000000e+00 : f32
    %broadcast_in_dim3A_107 = vector.broadcast %broadcast_in_dim3A_106 : f32 to vector<16xf32>
    %swap3A_108 = arith.constant 160 : index
    %swap3A_109 = tpu.vector_load %arg9[%swap3A_108] {strides = array<i32>} : memref<512xf32, #tpu.memory_space<vmem>>, vector<16xf32>,
    %swap3A_110 = vector.shape_cast %swap3A_109 : vector<16xf32> to vector<16xf32>
    %swap3A_111 = vector.shape_cast %broadcast_in_dim3A_107 : vector<16xf32> to vector<16xf32>
    tpu.vector_store %arg9[%swap3A_108], %swap3A_111 {strides = array<i32>} : memref<512xf32, #tpu.memory_space<vmem>>, vector<16xf32>,
    %broadcast_in_dim3A_112 = arith.constant 0.000000e+00 : f32
    %broadcast_in_dim3A_113 = vector.broadcast %broadcast_in_dim3A_112 : f32 to vector<16xf32>
    %swap3A_114 = arith.constant 176 : index
    %swap3A_115 = tpu.vector_load %arg9[%swap3A_114] {strides = array<i32>} : memref<512xf32, #tpu.memory_space<vmem>>, vector<16xf32>,
    %swap3A_116 = vector.shape_cast %swap3A_115 : vector<16xf32> to vector<16xf32>
    %swap3A_117 = vector.shape_cast %broadcast_in_dim3A_113 : vector<16xf32> to vector<16xf32>
    tpu.vector_store %arg9[%swap3A_114], %swap3A_117 {strides = array<i32>} : memref<512xf32, #tpu.memory_space<vmem>>, vector<16xf32>,
    %broadcast_in_dim3A_118 = arith.constant 0.000000e+00 : f32
    %broadcast_in_dim3A_119 = vector.broadcast %broadcast_in_dim3A_118 : f32 to vector<16xf32>
    %swap3A_120 = arith.constant 192 : index
    %swap3A_121 = tpu.vector_load %arg9[%swap3A_120] {strides = array<i32>} : memref<512xf32, #tpu.memory_space<vmem>>, vector<16xf32>,
    %swap3A_122 = vector.shape_cast %swap3A_121 : vector<16xf32> to vector<16xf32>
    %swap3A_123 = vector.shape_cast %broadcast_in_dim3A_119 : vector<16xf32> to vector<16xf32>
    tpu.vector_store %arg9[%swap3A_120], %swap3A_123 {strides = array<i32>} : memref<512xf32, #tpu.memory_space<vmem>>, vector<16xf32>,
    %broadcast_in_dim3A_124 = arith.constant 0.000000e+00 : f32
    %broadcast_in_dim3A_125 = vector.broadcast %broadcast_in_dim3A_124 : f32 to vector<16xf32>
    %swap3A_126 = arith.constant 208 : index
    %swap3A_127 = tpu.vector_load %arg9[%swap3A_126] {strides = array<i32>} : memref<512xf32, #tpu.memory_space<vmem>>, vector<16xf32>,
    %swap3A_128 = vector.shape_cast %swap3A_127 : vector<16xf32> to vector<16xf32>
    %swap3A_129 = vector.shape_cast %broadcast_in_dim3A_125 : vector<16xf32> to vector<16xf32>
    tpu.vector_store %arg9[%swap3A_126], %swap3A_129 {strides = array<i32>} : memref<512xf32, #tpu.memory_space<vmem>>, vector<16xf32>,
    %broadcast_in_dim3A_130 = arith.constant 0.000000e+00 : f32
    %broadcast_in_dim3A_131 = vector.broadcast %broadcast_in_dim3A_130 : f32 to vector<16xf32>
    %swap3A_132 = arith.constant 224 : index
    %swap3A_133 = tpu.vector_load %arg9[%swap3A_132] {strides = array<i32>} : memref<512xf32, #tpu.memory_space<vmem>>, vector<16xf32>,
    %swap3A_134 = vector.shape_cast %swap3A_133 : vector<16xf32> to vector<16xf32>
    %swap3A_135 = vector.shape_cast %broadcast_in_dim3A_131 : vector<16xf32> to vector<16xf32>
    tpu.vector_store %arg9[%swap3A_132], %swap3A_135 {strides = array<i32>} : memref<512xf32, #tpu.memory_space<vmem>>, vector<16xf32>,
    %broadcast_in_dim3A_136 = arith.constant 0.000000e+00 : f32
    %broadcast_in_dim3A_137 = vector.broadcast %broadcast_in_dim3A_136 : f32 to vector<16xf32>
    %swap3A_138 = arith.constant 240 : index
    %swap3A_139 = tpu.vector_load %arg9[%swap3A_138] {strides = array<i32>} : memref<512xf32, #tpu.memory_space<vmem>>, vector<16xf32>,
    %swap3A_140 = vector.shape_cast %swap3A_139 : vector<16xf32> to vector<16xf32>
    %swap3A_141 = vector.shape_cast %broadcast_in_dim3A_137 : vector<16xf32> to vector<16xf32>
    tpu.vector_store %arg9[%swap3A_138], %swap3A_141 {strides = array<i32>} : memref<512xf32, #tpu.memory_space<vmem>>, vector<16xf32>,
    %broadcast_in_dim3A_142 = arith.constant 0.000000e+00 : f32
    %broadcast_in_dim3A_143 = vector.broadcast %broadcast_in_dim3A_142 : f32 to vector<16xf32>
    %swap3A_144 = arith.constant 256 : index
    %swap3A_145 = tpu.vector_load %arg9[%swap3A_144] {strides = array<i32>} : memref<512xf32, #tpu.memory_space<vmem>>, vector<16xf32>,
    %swap3A_146 = vector.shape_cast %swap3A_145 : vector<16xf32> to vector<16xf32>
    %swap3A_147 = vector.shape_cast %broadcast_in_dim3A_143 : vector<16xf32> to vector<16xf32>
    tpu.vector_store %arg9[%swap3A_144], %swap3A_147 {strides = array<i32>} : memref<512xf32, #tpu.memory_space<vmem>>, vector<16xf32>,
    %broadcast_in_dim3A_148 = arith.constant 0.000000e+00 : f32
    %broadcast_in_dim3A_149 = vector.broadcast %broadcast_in_dim3A_148 : f32 to vector<16xf32>
    %swap3A_150 = arith.constant 272 : index
    %swap3A_151 = tpu.vector_load %arg9[%swap3A_150] {strides = array<i32>} : memref<512xf32, #tpu.memory_space<vmem>>, vector<16xf32>,
    %swap3A_152 = vector.shape_cast %swap3A_151 : vector<16xf32> to vector<16xf32>
    %swap3A_153 = vector.shape_cast %broadcast_in_dim3A_149 : vector<16xf32> to vector<16xf32>
    tpu.vector_store %arg9[%swap3A_150], %swap3A_153 {strides = array<i32>} : memref<512xf32, #tpu.memory_space<vmem>>, vector<16xf32>,
    %broadcast_in_dim3A_154 = arith.constant 0.000000e+00 : f32
    %broadcast_in_dim3A_155 = vector.broadcast %broadcast_in_dim3A_154 : f32 to vector<16xf32>
    %swap3A_156 = arith.constant 288 : index
    %swap3A_157 = tpu.vector_load %arg9[%swap3A_156] {strides = array<i32>} : memref<512xf32, #tpu.memory_space<vmem>>, vector<16xf32>,
    %swap3A_158 = vector.shape_cast %swap3A_157 : vector<16xf32> to vector<16xf32>
    %swap3A_159 = vector.shape_cast %broadcast_in_dim3A_155 : vector<16xf32> to vector<16xf32>
    tpu.vector_store %arg9[%swap3A_156], %swap3A_159 {strides = array<i32>} : memref<512xf32, #tpu.memory_space<vmem>>, vector<16xf32>,
    %broadcast_in_dim3A_160 = arith.constant 0.000000e+00 : f32
    %broadcast_in_dim3A_161 = vector.broadcast %broadcast_in_dim3A_160 : f32 to vector<16xf32>
    %swap3A_162 = arith.constant 304 : index
    %swap3A_163 = tpu.vector_load %arg9[%swap3A_162] {strides = array<i32>} : memref<512xf32, #tpu.memory_space<vmem>>, vector<16xf32>,
    %swap3A_164 = vector.shape_cast %swap3A_163 : vector<16xf32> to vector<16xf32>
    %swap3A_165 = vector.shape_cast %broadcast_in_dim3A_161 : vector<16xf32> to vector<16xf32>
    tpu.vector_store %arg9[%swap3A_162], %swap3A_165 {strides = array<i32>} : memref<512xf32, #tpu.memory_space<vmem>>, vector<16xf32>,
    %broadcast_in_dim3A_166 = arith.constant 0.000000e+00 : f32
    %broadcast_in_dim3A_167 = vector.broadcast %broadcast_in_dim3A_166 : f32 to vector<16xf32>
    %swap3A_168 = arith.constant 320 : index
    %swap3A_169 = tpu.vector_load %arg9[%swap3A_168] {strides = array<i32>} : memref<512xf32, #tpu.memory_space<vmem>>, vector<16xf32>,
    %swap3A_170 = vector.shape_cast %swap3A_169 : vector<16xf32> to vector<16xf32>
    %swap3A_171 = vector.shape_cast %broadcast_in_dim3A_167 : vector<16xf32> to vector<16xf32>
    tpu.vector_store %arg9[%swap3A_168], %swap3A_171 {strides = array<i32>} : memref<512xf32, #tpu.memory_space<vmem>>, vector<16xf32>,
    %broadcast_in_dim3A_172 = arith.constant 0.000000e+00 : f32
    %broadcast_in_dim3A_173 = vector.broadcast %broadcast_in_dim3A_172 : f32 to vector<16xf32>
    %swap3A_174 = arith.constant 336 : index
    %swap3A_175 = tpu.vector_load %arg9[%swap3A_174] {strides = array<i32>} : memref<512xf32, #tpu.memory_space<vmem>>, vector<16xf32>,
    %swap3A_176 = vector.shape_cast %swap3A_175 : vector<16xf32> to vector<16xf32>
    %swap3A_177 = vector.shape_cast %broadcast_in_dim3A_173 : vector<16xf32> to vector<16xf32>
    tpu.vector_store %arg9[%swap3A_174], %swap3A_177 {strides = array<i32>} : memref<512xf32, #tpu.memory_space<vmem>>, vector<16xf32>,
    %broadcast_in_dim3A_178 = arith.constant 0.000000e+00 : f32
    %broadcast_in_dim3A_179 = vector.broadcast %broadcast_in_dim3A_178 : f32 to vector<16xf32>
    %swap3A_180 = arith.constant 352 : index
    %swap3A_181 = tpu.vector_load %arg9[%swap3A_180] {strides = array<i32>} : memref<512xf32, #tpu.memory_space<vmem>>, vector<16xf32>,
    %swap3A_182 = vector.shape_cast %swap3A_181 : vector<16xf32> to vector<16xf32>
    %swap3A_183 = vector.shape_cast %broadcast_in_dim3A_179 : vector<16xf32> to vector<16xf32>
    tpu.vector_store %arg9[%swap3A_180], %swap3A_183 {strides = array<i32>} : memref<512xf32, #tpu.memory_space<vmem>>, vector<16xf32>,
    %broadcast_in_dim3A_184 = arith.constant 0.000000e+00 : f32
    %broadcast_in_dim3A_185 = vector.broadcast %broadcast_in_dim3A_184 : f32 to vector<16xf32>
    %swap3A_186 = arith.constant 368 : index
    %swap3A_187 = tpu.vector_load %arg9[%swap3A_186] {strides = array<i32>} : memref<512xf32, #tpu.memory_space<vmem>>, vector<16xf32>,
    %swap3A_188 = vector.shape_cast %swap3A_187 : vector<16xf32> to vector<16xf32>
    %swap3A_189 = vector.shape_cast %broadcast_in_dim3A_185 : vector<16xf32> to vector<16xf32>
    tpu.vector_store %arg9[%swap3A_186], %swap3A_189 {strides = array<i32>} : memref<512xf32, #tpu.memory_space<vmem>>, vector<16xf32>,
    %broadcast_in_dim3A_190 = arith.constant 0.000000e+00 : f32
    %broadcast_in_dim3A_191 = vector.broadcast %broadcast_in_dim3A_190 : f32 to vector<16xf32>
    %swap3A_192 = arith.constant 384 : index
    %swap3A_193 = tpu.vector_load %arg9[%swap3A_192] {strides = array<i32>} : memref<512xf32, #tpu.memory_space<vmem>>, vector<16xf32>,
    %swap3A_194 = vector.shape_cast %swap3A_193 : vector<16xf32> to vector<16xf32>
    %swap3A_195 = vector.shape_cast %broadcast_in_dim3A_191 : vector<16xf32> to vector<16xf32>
    tpu.vector_store %arg9[%swap3A_192], %swap3A_195 {strides = array<i32>} : memref<512xf32, #tpu.memory_space<vmem>>, vector<16xf32>,
    %broadcast_in_dim3A_196 = arith.constant 0.000000e+00 : f32
    %broadcast_in_dim3A_197 = vector.broadcast %broadcast_in_dim3A_196 : f32 to vector<16xf32>
    %swap3A_198 = arith.constant 400 : index
    %swap3A_199 = tpu.vector_load %arg9[%swap3A_198] {strides = array<i32>} : memref<512xf32, #tpu.memory_space<vmem>>, vector<16xf32>,
    %swap3A_200 = vector.shape_cast %swap3A_199 : vector<16xf32> to vector<16xf32>
    %swap3A_201 = vector.shape_cast %broadcast_in_dim3A_197 : vector<16xf32> to vector<16xf32>
    tpu.vector_store %arg9[%swap3A_198], %swap3A_201 {strides = array<i32>} : memref<512xf32, #tpu.memory_space<vmem>>, vector<16xf32>,
    %broadcast_in_dim3A_202 = arith.constant 0.000000e+00 : f32
    %broadcast_in_dim3A_203 = vector.broadcast %broadcast_in_dim3A_202 : f32 to vector<16xf32>
    %swap3A_204 = arith.constant 416 : index
    %swap3A_205 = tpu.vector_load %arg9[%swap3A_204] {strides = array<i32>} : memref<512xf32, #tpu.memory_space<vmem>>, vector<16xf32>,
    %swap3A_206 = vector.shape_cast %swap3A_205 : vector<16xf32> to vector<16xf32>
    %swap3A_207 = vector.shape_cast %broadcast_in_dim3A_203 : vector<16xf32> to vector<16xf32>
    tpu.vector_store %arg9[%swap3A_204], %swap3A_207 {strides = array<i32>} : memref<512xf32, #tpu.memory_space<vmem>>, vector<16xf32>,
    %broadcast_in_dim3A_208 = arith.constant 0.000000e+00 : f32
    %broadcast_in_dim3A_209 = vector.broadcast %broadcast_in_dim3A_208 : f32 to vector<16xf32>
    %swap3A_210 = arith.constant 432 : index
    %swap3A_211 = tpu.vector_load %arg9[%swap3A_210] {strides = array<i32>} : memref<512xf32, #tpu.memory_space<vmem>>, vector<16xf32>,
    %swap3A_212 = vector.shape_cast %swap3A_211 : vector<16xf32> to vector<16xf32>
    %swap3A_213 = vector.shape_cast %broadcast_in_dim3A_209 : vector<16xf32> to vector<16xf32>
    tpu.vector_store %arg9[%swap3A_210], %swap3A_213 {strides = array<i32>} : memref<512xf32, #tpu.memory_space<vmem>>, vector<16xf32>,
    %broadcast_in_dim3A_214 = arith.constant 0.000000e+00 : f32
    %broadcast_in_dim3A_215 = vector.broadcast %broadcast_in_dim3A_214 : f32 to vector<16xf32>
    %swap3A_216 = arith.constant 448 : index
    %swap3A_217 = tpu.vector_load %arg9[%swap3A_216] {strides = array<i32>} : memref<512xf32, #tpu.memory_space<vmem>>, vector<16xf32>,
    %swap3A_218 = vector.shape_cast %swap3A_217 : vector<16xf32> to vector<16xf32>
    %swap3A_219 = vector.shape_cast %broadcast_in_dim3A_215 : vector<16xf32> to vector<16xf32>
    tpu.vector_store %arg9[%swap3A_216], %swap3A_219 {strides = array<i32>} : memref<512xf32, #tpu.memory_space<vmem>>, vector<16xf32>,
    %broadcast_in_dim3A_220 = arith.constant 0.000000e+00 : f32
    %broadcast_in_dim3A_221 = vector.broadcast %broadcast_in_dim3A_220 : f32 to vector<16xf32>
    %swap3A_222 = arith.constant 464 : index
    %swap3A_223 = tpu.vector_load %arg9[%swap3A_222] {strides = array<i32>} : memref<512xf32, #tpu.memory_space<vmem>>, vector<16xf32>,
    %swap3A_224 = vector.shape_cast %swap3A_223 : vector<16xf32> to vector<16xf32>
    %swap3A_225 = vector.shape_cast %broadcast_in_dim3A_221 : vector<16xf32> to vector<16xf32>
    tpu.vector_store %arg9[%swap3A_222], %swap3A_225 {strides = array<i32>} : memref<512xf32, #tpu.memory_space<vmem>>, vector<16xf32>,
    %broadcast_in_dim3A_226 = arith.constant 0.000000e+00 : f32
    %broadcast_in_dim3A_227 = vector.broadcast %broadcast_in_dim3A_226 : f32 to vector<16xf32>
    %swap3A_228 = arith.constant 480 : index
    %swap3A_229 = tpu.vector_load %arg9[%swap3A_228] {strides = array<i32>} : memref<512xf32, #tpu.memory_space<vmem>>, vector<16xf32>,
    %swap3A_230 = vector.shape_cast %swap3A_229 : vector<16xf32> to vector<16xf32>
    %swap3A_231 = vector.shape_cast %broadcast_in_dim3A_227 : vector<16xf32> to vector<16xf32>
    tpu.vector_store %arg9[%swap3A_228], %swap3A_231 {strides = array<i32>} : memref<512xf32, #tpu.memory_space<vmem>>, vector<16xf32>,
    %broadcast_in_dim3A_232 = arith.constant 0.000000e+00 : f32
    %broadcast_in_dim3A_233 = vector.broadcast %broadcast_in_dim3A_232 : f32 to vector<16xf32>
    %swap3A_234 = arith.constant 496 : index
    %swap3A_235 = tpu.vector_load %arg9[%swap3A_234] {strides = array<i32>} : memref<512xf32, #tpu.memory_space<vmem>>, vector<16xf32>,
    %swap3A_236 = vector.shape_cast %swap3A_235 : vector<16xf32> to vector<16xf32>
    %swap3A_237 = vector.shape_cast %broadcast_in_dim3A_233 : vector<16xf32> to vector<16xf32>
    tpu.vector_store %arg9[%swap3A_234], %swap3A_237 {strides = array<i32>} : memref<512xf32, #tpu.memory_space<vmem>>, vector<16xf32>,
    %broadcast_in_dim3A_238 = arith.constant 1.000000e+00 : f32
    %broadcast_in_dim3A_239 = vector.broadcast %broadcast_in_dim3A_238 : f32 to vector<16xf32>
    %swap3A_240 = arith.constant 0 : index
    %swap3A_241 = tpu.vector_load %arg8[%swap3A_240] {strides = array<i32>} : memref<128xf32, #tpu.memory_space<vmem>>, vector<16xf32>,
    %swap3A_242 = vector.shape_cast %swap3A_241 : vector<16xf32> to vector<16xf32>
    %swap3A_243 = vector.shape_cast %broadcast_in_dim3A_239 : vector<16xf32> to vector<16xf32>
    tpu.vector_store %arg8[%swap3A_240], %swap3A_243 {strides = array<i32>} : memref<128xf32, #tpu.memory_space<vmem>>, vector<16xf32>,
    %broadcast_in_dim3A_244 = arith.constant 1.000000e+00 : f32
    %broadcast_in_dim3A_245 = vector.broadcast %broadcast_in_dim3A_244 : f32 to vector<16xf32>
    %swap3A_246 = arith.constant 16 : index
    %swap3A_247 = tpu.vector_load %arg8[%swap3A_246] {strides = array<i32>} : memref<128xf32, #tpu.memory_space<vmem>>, vector<16xf32>,
    %swap3A_248 = vector.shape_cast %swap3A_247 : vector<16xf32> to vector<16xf32>
    %swap3A_249 = vector.shape_cast %broadcast_in_dim3A_245 : vector<16xf32> to vector<16xf32>
    tpu.vector_store %arg8[%swap3A_246], %swap3A_249 {strides = array<i32>} : memref<128xf32, #tpu.memory_space<vmem>>, vector<16xf32>,
    %broadcast_in_dim3A_250 = arith.constant 1.000000e+00 : f32
    %broadcast_in_dim3A_251 = vector.broadcast %broadcast_in_dim3A_250 : f32 to vector<16xf32>
    %swap3A_252 = arith.constant 32 : index
    %swap3A_253 = tpu.vector_load %arg8[%swap3A_252] {strides = array<i32>} : memref<128xf32, #tpu.memory_space<vmem>>, vector<16xf32>,
    %swap3A_254 = vector.shape_cast %swap3A_253 : vector<16xf32> to vector<16xf32>
    %swap3A_255 = vector.shape_cast %broadcast_in_dim3A_251 : vector<16xf32> to vector<16xf32>
    tpu.vector_store %arg8[%swap3A_252], %swap3A_255 {strides = array<i32>} : memref<128xf32, #tpu.memory_space<vmem>>, vector<16xf32>,
    %broadcast_in_dim3A_256 = arith.constant 1.000000e+00 : f32
    %broadcast_in_dim3A_257 = vector.broadcast %broadcast_in_dim3A_256 : f32 to vector<16xf32>
    %swap3A_258 = arith.constant 48 : index
    %swap3A_259 = tpu.vector_load %arg8[%swap3A_258] {strides = array<i32>} : memref<128xf32, #tpu.memory_space<vmem>>, vector<16xf32>,
    %swap3A_260 = vector.shape_cast %swap3A_259 : vector<16xf32> to vector<16xf32>
    %swap3A_261 = vector.shape_cast %broadcast_in_dim3A_257 : vector<16xf32> to vector<16xf32>
    tpu.vector_store %arg8[%swap3A_258], %swap3A_261 {strides = array<i32>} : memref<128xf32, #tpu.memory_space<vmem>>, vector<16xf32>,
    %broadcast_in_dim3A_262 = arith.constant 1.000000e+00 : f32
    %broadcast_in_dim3A_263 = vector.broadcast %broadcast_in_dim3A_262 : f32 to vector<16xf32>
    %swap3A_264 = arith.constant 64 : index
    %swap3A_265 = tpu.vector_load %arg8[%swap3A_264] {strides = array<i32>} : memref<128xf32, #tpu.memory_space<vmem>>, vector<16xf32>,
    %swap3A_266 = vector.shape_cast %swap3A_265 : vector<16xf32> to vector<16xf32>
    %swap3A_267 = vector.shape_cast %broadcast_in_dim3A_263 : vector<16xf32> to vector<16xf32>
    tpu.vector_store %arg8[%swap3A_264], %swap3A_267 {strides = array<i32>} : memref<128xf32, #tpu.memory_space<vmem>>, vector<16xf32>,
    %broadcast_in_dim3A_268 = arith.constant 1.000000e+00 : f32
    %broadcast_in_dim3A_269 = vector.broadcast %broadcast_in_dim3A_268 : f32 to vector<16xf32>
    %swap3A_270 = arith.constant 80 : index
    %swap3A_271 = tpu.vector_load %arg8[%swap3A_270] {strides = array<i32>} : memref<128xf32, #tpu.memory_space<vmem>>, vector<16xf32>,
    %swap3A_272 = vector.shape_cast %swap3A_271 : vector<16xf32> to vector<16xf32>
    %swap3A_273 = vector.shape_cast %broadcast_in_dim3A_269 : vector<16xf32> to vector<16xf32>
    tpu.vector_store %arg8[%swap3A_270], %swap3A_273 {strides = array<i32>} : memref<128xf32, #tpu.memory_space<vmem>>, vector<16xf32>,
    %broadcast_in_dim3A_274 = arith.constant 1.000000e+00 : f32
    %broadcast_in_dim3A_275 = vector.broadcast %broadcast_in_dim3A_274 : f32 to vector<16xf32>
    %swap3A_276 = arith.constant 96 : index
    %swap3A_277 = tpu.vector_load %arg8[%swap3A_276] {strides = array<i32>} : memref<128xf32, #tpu.memory_space<vmem>>, vector<16xf32>,
    %swap3A_278 = vector.shape_cast %swap3A_277 : vector<16xf32> to vector<16xf32>
    %swap3A_279 = vector.shape_cast %broadcast_in_dim3A_275 : vector<16xf32> to vector<16xf32>
    tpu.vector_store %arg8[%swap3A_276], %swap3A_279 {strides = array<i32>} : memref<128xf32, #tpu.memory_space<vmem>>, vector<16xf32>,
    %broadcast_in_dim3A_280 = arith.constant 1.000000e+00 : f32
    %broadcast_in_dim3A_281 = vector.broadcast %broadcast_in_dim3A_280 : f32 to vector<16xf32>
    %swap3A_282 = arith.constant 112 : index
    %swap3A_283 = tpu.vector_load %arg8[%swap3A_282] {strides = array<i32>} : memref<128xf32, #tpu.memory_space<vmem>>, vector<16xf32>,
    %swap3A_284 = vector.shape_cast %swap3A_283 : vector<16xf32> to vector<16xf32>
    %swap3A_285 = vector.shape_cast %broadcast_in_dim3A_281 : vector<16xf32> to vector<16xf32>
    tpu.vector_store %arg8[%swap3A_282], %swap3A_285 {strides = array<i32>} : memref<128xf32, #tpu.memory_space<vmem>>, vector<16xf32>,
    %mul3A_286 = arith.constant 512 : i32
    %mul3A_287 = arith.muli %arg1, %mul3A_286 : i32
    "tpu.region"() ({
      %run_scoped3A_343 = tpu.sem_alloc : memref<!tpu.dma_semaphore, #tpu.memory_space<semaphore_mem>>
      %dma_start3A_344 = tpu.memref_slice %arg10[%mul3A_287] : memref<8192xf32, #tpu.memory_space<vmem_shared>> -> memref<512xf32, #tpu.memory_space<vmem_shared>>
      %dma_start3A_345 = tpu.memref_slice %arg10[%mul3A_287] : memref<8192xf32, #tpu.memory_space<vmem_shared>> -> memref<512xf32, #tpu.memory_space<vmem_shared>>
      tpu.enqueue_dma source(%arg9 : memref<512xf32, #tpu.memory_space<vmem>>) target(%dma_start3A_345 : memref<512xf32, #tpu.memory_space<vmem_shared>>) target_semaphore(%run_scoped3A_343 : memref<!tpu.dma_semaphore, #tpu.memory_space<semaphore_mem>>)
      %dma_wait3A_346 = tpu.memref_slice %arg10[%mul3A_287] : memref<8192xf32, #tpu.memory_space<vmem_shared>> -> memref<512xf32, #tpu.memory_space<vmem_shared>>
      %dma_wait3A_347 = tpu.memref_slice %arg10[%mul3A_287] : memref<8192xf32, #tpu.memory_space<vmem_shared>> -> memref<512xf32, #tpu.memory_space<vmem_shared>>
      tpu.wait_dma2 semaphore(%run_scoped3A_343 : memref<!tpu.dma_semaphore, #tpu.memory_space<semaphore_mem>>) src(%arg9 : memref<512xf32, #tpu.memory_space<vmem>>) dst(%dma_wait3A_347 : memref<512xf32, #tpu.memory_space<vmem_shared>>)
      tpu.yield
    }) : () -> ()
    %barrier3A = arith.constant 0 : index
    tpu.barrier barrier_id(%barrier3A)
    %run_scoped3A = arith.constant 0 : i32
    "tpu.region"() ({
      %run_scoped3A_343 = tpu.sem_alloc : memref<!tpu.dma_semaphore, #tpu.memory_space<semaphore_mem>>
      %dma_start3A_344 = arith.constant 0 : i32
      %dma_start3A_345 = tpu.memref_slice %arg6[%run_scoped3A, %dma_start3A_344] : memref<4x128xi32, #tpu.memory_space<vmem>> -> memref<1x128xi32, #tpu.memory_space<vmem>>
      %dma_start3A_346 = tpu.memref_squeeze %dma_start3A_345 : memref<1x128xi32, #tpu.memory_space<vmem>> -> memref<128xi32, #tpu.memory_space<vmem>>
      %dma_start3A_347 = arith.constant 0 : i32
      %dma_start3A_348 = tpu.memref_slice %arg10[%dma_start3A_347] : memref<8192xf32, #tpu.memory_space<vmem_shared>> -> memref<8192xf32, #tpu.memory_space<vmem_shared>>
      tpu.enqueue_indirect_dma source(%arg8 : memref<128xf32, #tpu.memory_space<vmem>>) target(%dma_start3A_348 : memref<8192xf32, #tpu.memory_space<vmem_shared>>) offsets(%dma_start3A_346 : memref<128xi32, #tpu.memory_space<vmem>>) semaphore(%run_scoped3A_343 : memref<!tpu.dma_semaphore, #tpu.memory_space<semaphore_mem>>) {add = true}
      %dma_wait3A_349 = arith.constant 0 : i32
      %dma_wait3A_350 = tpu.memref_slice %arg6[%run_scoped3A, %dma_wait3A_349] : memref<4x128xi32, #tpu.memory_space<vmem>> -> memref<1x128xi32, #tpu.memory_space<vmem>>
      %dma_wait3A_351 = tpu.memref_squeeze %dma_wait3A_350 : memref<1x128xi32, #tpu.memory_space<vmem>> -> memref<128xi32, #tpu.memory_space<vmem>>
      %dma_wait3A_352 = arith.constant 0 : i32
      %dma_wait3A_353 = tpu.memref_slice %arg10[%dma_wait3A_352] : memref<8192xf32, #tpu.memory_space<vmem_shared>> -> memref<8192xf32, #tpu.memory_space<vmem_shared>>
      tpu.wait_indirect_dma semaphore(%run_scoped3A_343 : memref<!tpu.dma_semaphore, #tpu.memory_space<semaphore_mem>>) src(%arg8 : memref<128xf32, #tpu.memory_space<vmem>>) dst(%dma_wait3A_353 : memref<8192xf32, #tpu.memory_space<vmem_shared>>)
      tpu.yield
    }) : () -> ()
    %run_scoped3A_288 = arith.constant 1 : i32
    "tpu.region"() ({
      %run_scoped3A_343 = tpu.sem_alloc : memref<!tpu.dma_semaphore, #tpu.memory_space<semaphore_mem>>
      %dma_start3A_344 = arith.constant 0 : i32
      %dma_start3A_345 = tpu.memref_slice %arg6[%run_scoped3A_288, %dma_start3A_344] : memref<4x128xi32, #tpu.memory_space<vmem>> -> memref<1x128xi32, #tpu.memory_space<vmem>>
      %dma_start3A_346 = tpu.memref_squeeze %dma_start3A_345 : memref<1x128xi32, #tpu.memory_space<vmem>> -> memref<128xi32, #tpu.memory_space<vmem>>
      %dma_start3A_347 = arith.constant 0 : i32
      %dma_start3A_348 = tpu.memref_slice %arg10[%dma_start3A_347] : memref<8192xf32, #tpu.memory_space<vmem_shared>> -> memref<8192xf32, #tpu.memory_space<vmem_shared>>
      tpu.enqueue_indirect_dma source(%arg8 : memref<128xf32, #tpu.memory_space<vmem>>) target(%dma_start3A_348 : memref<8192xf32, #tpu.memory_space<vmem_shared>>) offsets(%dma_start3A_346 : memref<128xi32, #tpu.memory_space<vmem>>) semaphore(%run_scoped3A_343 : memref<!tpu.dma_semaphore, #tpu.memory_space<semaphore_mem>>) {add = true}
      %dma_wait3A_349 = arith.constant 0 : i32
      %dma_wait3A_350 = tpu.memref_slice %arg6[%run_scoped3A_288, %dma_wait3A_349] : memref<4x128xi32, #tpu.memory_space<vmem>> -> memref<1x128xi32, #tpu.memory_space<vmem>>
      %dma_wait3A_351 = tpu.memref_squeeze %dma_wait3A_350 : memref<1x128xi32, #tpu.memory_space<vmem>> -> memref<128xi32, #tpu.memory_space<vmem>>
      %dma_wait3A_352 = arith.constant 0 : i32
      %dma_wait3A_353 = tpu.memref_slice %arg10[%dma_wait3A_352] : memref<8192xf32, #tpu.memory_space<vmem_shared>> -> memref<8192xf32, #tpu.memory_space<vmem_shared>>
      tpu.wait_indirect_dma semaphore(%run_scoped3A_343 : memref<!tpu.dma_semaphore, #tpu.memory_space<semaphore_mem>>) src(%arg8 : memref<128xf32, #tpu.memory_space<vmem>>) dst(%dma_wait3A_353 : memref<8192xf32, #tpu.memory_space<vmem_shared>>)
      tpu.yield
    }) : () -> ()
    %run_scoped3A_289 = arith.constant 2 : i32
    "tpu.region"() ({
      %run_scoped3A_343 = tpu.sem_alloc : memref<!tpu.dma_semaphore, #tpu.memory_space<semaphore_mem>>
      %dma_start3A_344 = arith.constant 0 : i32
      %dma_start3A_345 = tpu.memref_slice %arg6[%run_scoped3A_289, %dma_start3A_344] : memref<4x128xi32, #tpu.memory_space<vmem>> -> memref<1x128xi32, #tpu.memory_space<vmem>>
      %dma_start3A_346 = tpu.memref_squeeze %dma_start3A_345 : memref<1x128xi32, #tpu.memory_space<vmem>> -> memref<128xi32, #tpu.memory_space<vmem>>
      %dma_start3A_347 = arith.constant 0 : i32
      %dma_start3A_348 = tpu.memref_slice %arg10[%dma_start3A_347] : memref<8192xf32, #tpu.memory_space<vmem_shared>> -> memref<8192xf32, #tpu.memory_space<vmem_shared>>
      tpu.enqueue_indirect_dma source(%arg8 : memref<128xf32, #tpu.memory_space<vmem>>) target(%dma_start3A_348 : memref<8192xf32, #tpu.memory_space<vmem_shared>>) offsets(%dma_start3A_346 : memref<128xi32, #tpu.memory_space<vmem>>) semaphore(%run_scoped3A_343 : memref<!tpu.dma_semaphore, #tpu.memory_space<semaphore_mem>>) {add = true}
      %dma_wait3A_349 = arith.constant 0 : i32
      %dma_wait3A_350 = tpu.memref_slice %arg6[%run_scoped3A_289, %dma_wait3A_349] : memref<4x128xi32, #tpu.memory_space<vmem>> -> memref<1x128xi32, #tpu.memory_space<vmem>>
      %dma_wait3A_351 = tpu.memref_squeeze %dma_wait3A_350 : memref<1x128xi32, #tpu.memory_space<vmem>> -> memref<128xi32, #tpu.memory_space<vmem>>
      %dma_wait3A_352 = arith.constant 0 : i32
      %dma_wait3A_353 = tpu.memref_slice %arg10[%dma_wait3A_352] : memref<8192xf32, #tpu.memory_space<vmem_shared>> -> memref<8192xf32, #tpu.memory_space<vmem_shared>>
      tpu.wait_indirect_dma semaphore(%run_scoped3A_343 : memref<!tpu.dma_semaphore, #tpu.memory_space<semaphore_mem>>) src(%arg8 : memref<128xf32, #tpu.memory_space<vmem>>) dst(%dma_wait3A_353 : memref<8192xf32, #tpu.memory_space<vmem_shared>>)
      tpu.yield
    }) : () -> ()
    %run_scoped3A_290 = arith.constant 3 : i32
    "tpu.region"() ({
      %run_scoped3A_343 = tpu.sem_alloc : memref<!tpu.dma_semaphore, #tpu.memory_space<semaphore_mem>>
      %dma_start3A_344 = arith.constant 0 : i32
      %dma_start3A_345 = tpu.memref_slice %arg6[%run_scoped3A_290, %dma_start3A_344] : memref<4x128xi32, #tpu.memory_space<vmem>> -> memref<1x128xi32, #tpu.memory_space<vmem>>
      %dma_start3A_346 = tpu.memref_squeeze %dma_start3A_345 : memref<1x128xi32, #tpu.memory_space<vmem>> -> memref<128xi32, #tpu.memory_space<vmem>>
      %dma_start3A_347 = arith.constant 0 : i32
      %dma_start3A_348 = tpu.memref_slice %arg10[%dma_start3A_347] : memref<8192xf32, #tpu.memory_space<vmem_shared>> -> memref<8192xf32, #tpu.memory_space<vmem_shared>>
      tpu.enqueue_indirect_dma source(%arg8 : memref<128xf32, #tpu.memory_space<vmem>>) target(%dma_start3A_348 : memref<8192xf32, #tpu.memory_space<vmem_shared>>) offsets(%dma_start3A_346 : memref<128xi32, #tpu.memory_space<vmem>>) semaphore(%run_scoped3A_343 : memref<!tpu.dma_semaphore, #tpu.memory_space<semaphore_mem>>) {add = true}
      %dma_wait3A_349 = arith.constant 0 : i32
      %dma_wait3A_350 = tpu.memref_slice %arg6[%run_scoped3A_290, %dma_wait3A_349] : memref<4x128xi32, #tpu.memory_space<vmem>> -> memref<1x128xi32, #tpu.memory_space<vmem>>
      %dma_wait3A_351 = tpu.memref_squeeze %dma_wait3A_350 : memref<1x128xi32, #tpu.memory_space<vmem>> -> memref<128xi32, #tpu.memory_space<vmem>>
      %dma_wait3A_352 = arith.constant 0 : i32
      %dma_wait3A_353 = tpu.memref_slice %arg10[%dma_wait3A_352] : memref<8192xf32, #tpu.memory_space<vmem_shared>> -> memref<8192xf32, #tpu.memory_space<vmem_shared>>
      tpu.wait_indirect_dma semaphore(%run_scoped3A_343 : memref<!tpu.dma_semaphore, #tpu.memory_space<semaphore_mem>>) src(%arg8 : memref<128xf32, #tpu.memory_space<vmem>>) dst(%dma_wait3A_353 : memref<8192xf32, #tpu.memory_space<vmem_shared>>)
      tpu.yield
    }) : () -> ()
    %dma_wait3A = arith.constant 0 : i32
    %dma_wait3A_291 = arith.constant 0 : i32
    %dma_wait3A_292 = arith.constant 0 : i32
    %dma_wait3A_293 = arith.constant 0 : i32
    %dma_wait3A_294 = tpu.memref_slice %arg7[%dma_wait3A_291, %dma_wait3A_292, %dma_wait3A_293] : memref<4x128x128xf32, #tpu.memory_space<vmem>> -> memref<1x128x128xf32, #tpu.memory_space<vmem>>
    %dma_wait3A_295 = tpu.memref_squeeze %dma_wait3A_294 : memref<1x128x128xf32, #tpu.memory_space<vmem>> -> memref<128x128xf32, #tpu.memory_space<vmem>>
    %dma_wait3A_296 = arith.constant 0 : i32
    %dma_wait3A_297 = tpu.memref_slice %arg6[%dma_wait3A, %dma_wait3A_296] : memref<4x128xi32, #tpu.memory_space<vmem>> -> memref<1x128xi32, #tpu.memory_space<vmem>>
    %dma_wait3A_298 = tpu.memref_squeeze %dma_wait3A_297 : memref<1x128xi32, #tpu.memory_space<vmem>> -> memref<128xi32, #tpu.memory_space<vmem>>
    %dma_wait3A_299 = arith.constant 0 : i32
    %dma_wait3A_300 = arith.constant 0 : i32
    %dma_wait3A_301 = tpu.memref_slice %arg2[%dma_wait3A_299, %dma_wait3A_300] : memref<8192x128xf32, #tpu.memory_space<hbm>> -> memref<8192x128xf32, #tpu.memory_space<hbm>>
    tpu.wait_indirect_dma semaphore(%arg12 : memref<!tpu.dma_semaphore, #tpu.memory_space<semaphore_mem>>) src(%dma_wait3A_301 : memref<8192x128xf32, #tpu.memory_space<hbm>>) dst(%dma_wait3A_295 : memref<128x128xf32, #tpu.memory_space<vmem>>)
    %dma_wait3A_302 = arith.constant 1 : i32
    %dma_wait3A_303 = arith.constant 1 : i32
    %dma_wait3A_304 = arith.constant 0 : i32
    %dma_wait3A_305 = arith.constant 0 : i32
    %dma_wait3A_306 = tpu.memref_slice %arg7[%dma_wait3A_303, %dma_wait3A_304, %dma_wait3A_305] : memref<4x128x128xf32, #tpu.memory_space<vmem>> -> memref<1x128x128xf32, #tpu.memory_space<vmem>>
    %dma_wait3A_307 = tpu.memref_squeeze %dma_wait3A_306 : memref<1x128x128xf32, #tpu.memory_space<vmem>> -> memref<128x128xf32, #tpu.memory_space<vmem>>
    %dma_wait3A_308 = arith.constant 0 : i32
    %dma_wait3A_309 = tpu.memref_slice %arg6[%dma_wait3A_302, %dma_wait3A_308] : memref<4x128xi32, #tpu.memory_space<vmem>> -> memref<1x128xi32, #tpu.memory_space<vmem>>
    %dma_wait3A_310 = tpu.memref_squeeze %dma_wait3A_309 : memref<1x128xi32, #tpu.memory_space<vmem>> -> memref<128xi32, #tpu.memory_space<vmem>>
    %dma_wait3A_311 = arith.constant 0 : i32
    %dma_wait3A_312 = arith.constant 0 : i32
    %dma_wait3A_313 = tpu.memref_slice %arg2[%dma_wait3A_311, %dma_wait3A_312] : memref<8192x128xf32, #tpu.memory_space<hbm>> -> memref<8192x128xf32, #tpu.memory_space<hbm>>
    tpu.wait_indirect_dma semaphore(%arg12 : memref<!tpu.dma_semaphore, #tpu.memory_space<semaphore_mem>>) src(%dma_wait3A_313 : memref<8192x128xf32, #tpu.memory_space<hbm>>) dst(%dma_wait3A_307 : memref<128x128xf32, #tpu.memory_space<vmem>>)
    %dma_wait3A_314 = arith.constant 2 : i32
    %dma_wait3A_315 = arith.constant 2 : i32
    %dma_wait3A_316 = arith.constant 0 : i32
    %dma_wait3A_317 = arith.constant 0 : i32
    %dma_wait3A_318 = tpu.memref_slice %arg7[%dma_wait3A_315, %dma_wait3A_316, %dma_wait3A_317] : memref<4x128x128xf32, #tpu.memory_space<vmem>> -> memref<1x128x128xf32, #tpu.memory_space<vmem>>
    %dma_wait3A_319 = tpu.memref_squeeze %dma_wait3A_318 : memref<1x128x128xf32, #tpu.memory_space<vmem>> -> memref<128x128xf32, #tpu.memory_space<vmem>>
    %dma_wait3A_320 = arith.constant 0 : i32
    %dma_wait3A_321 = tpu.memref_slice %arg6[%dma_wait3A_314, %dma_wait3A_320] : memref<4x128xi32, #tpu.memory_space<vmem>> -> memref<1x128xi32, #tpu.memory_space<vmem>>
    %dma_wait3A_322 = tpu.memref_squeeze %dma_wait3A_321 : memref<1x128xi32, #tpu.memory_space<vmem>> -> memref<128xi32, #tpu.memory_space<vmem>>
    %dma_wait3A_323 = arith.constant 0 : i32
    %dma_wait3A_324 = arith.constant 0 : i32
    %dma_wait3A_325 = tpu.memref_slice %arg2[%dma_wait3A_323, %dma_wait3A_324] : memref<8192x128xf32, #tpu.memory_space<hbm>> -> memref<8192x128xf32, #tpu.memory_space<hbm>>
    tpu.wait_indirect_dma semaphore(%arg12 : memref<!tpu.dma_semaphore, #tpu.memory_space<semaphore_mem>>) src(%dma_wait3A_325 : memref<8192x128xf32, #tpu.memory_space<hbm>>) dst(%dma_wait3A_319 : memref<128x128xf32, #tpu.memory_space<vmem>>)
    %dma_wait3A_326 = arith.constant 3 : i32
    %dma_wait3A_327 = arith.constant 3 : i32
    %dma_wait3A_328 = arith.constant 0 : i32
    %dma_wait3A_329 = arith.constant 0 : i32
    %dma_wait3A_330 = tpu.memref_slice %arg7[%dma_wait3A_327, %dma_wait3A_328, %dma_wait3A_329] : memref<4x128x128xf32, #tpu.memory_space<vmem>> -> memref<1x128x128xf32, #tpu.memory_space<vmem>>
    %dma_wait3A_331 = tpu.memref_squeeze %dma_wait3A_330 : memref<1x128x128xf32, #tpu.memory_space<vmem>> -> memref<128x128xf32, #tpu.memory_space<vmem>>
    %dma_wait3A_332 = arith.constant 0 : i32
    %dma_wait3A_333 = tpu.memref_slice %arg6[%dma_wait3A_326, %dma_wait3A_332] : memref<4x128xi32, #tpu.memory_space<vmem>> -> memref<1x128xi32, #tpu.memory_space<vmem>>
    %dma_wait3A_334 = tpu.memref_squeeze %dma_wait3A_333 : memref<1x128xi32, #tpu.memory_space<vmem>> -> memref<128xi32, #tpu.memory_space<vmem>>
    %dma_wait3A_335 = arith.constant 0 : i32
    %dma_wait3A_336 = arith.constant 0 : i32
    %dma_wait3A_337 = tpu.memref_slice %arg2[%dma_wait3A_335, %dma_wait3A_336] : memref<8192x128xf32, #tpu.memory_space<hbm>> -> memref<8192x128xf32, #tpu.memory_space<hbm>>
    tpu.wait_indirect_dma semaphore(%arg12 : memref<!tpu.dma_semaphore, #tpu.memory_space<semaphore_mem>>) src(%dma_wait3A_337 : memref<8192x128xf32, #tpu.memory_space<hbm>>) dst(%dma_wait3A_331 : memref<128x128xf32, #tpu.memory_space<vmem>>)
    %mul3A_338 = arith.constant 4 : i32
    %mul3A_339 = arith.muli %arg1, %mul3A_338 : i32
    "tpu.region"() ({
      %run_scoped3A_343 = tpu.sem_alloc : memref<!tpu.dma_semaphore, #tpu.memory_space<semaphore_mem>>
      %dma_start3A_344 = arith.constant 0 : i32
      %dma_start3A_345 = arith.constant 0 : i32
      %dma_start3A_346 = tpu.memref_slice %arg4[%mul3A_339, %dma_start3A_344, %dma_start3A_345] : memref<64x128x128xf32, #tpu.memory_space<hbm>> -> memref<4x128x128xf32, #tpu.memory_space<hbm>>
      %dma_start3A_347 = arith.constant 0 : i32
      %dma_start3A_348 = arith.constant 0 : i32
      %dma_start3A_349 = tpu.memref_slice %arg4[%mul3A_339, %dma_start3A_347, %dma_start3A_348] : memref<64x128x128xf32, #tpu.memory_space<hbm>> -> memref<4x128x128xf32, #tpu.memory_space<hbm>>
      tpu.enqueue_dma source(%arg7 : memref<4x128x128xf32, #tpu.memory_space<vmem>>) target(%dma_start3A_349 : memref<4x128x128xf32, #tpu.memory_space<hbm>>) target_semaphore(%run_scoped3A_343 : memref<!tpu.dma_semaphore, #tpu.memory_space<semaphore_mem>>)
      %dma_wait3A_350 = arith.constant 0 : i32
      %dma_wait3A_351 = arith.constant 0 : i32
      %dma_wait3A_352 = tpu.memref_slice %arg4[%mul3A_339, %dma_wait3A_350, %dma_wait3A_351] : memref<64x128x128xf32, #tpu.memory_space<hbm>> -> memref<4x128x128xf32, #tpu.memory_space<hbm>>
      %dma_wait3A_353 = arith.constant 0 : i32
      %dma_wait3A_354 = arith.constant 0 : i32
      %dma_wait3A_355 = tpu.memref_slice %arg4[%mul3A_339, %dma_wait3A_353, %dma_wait3A_354] : memref<64x128x128xf32, #tpu.memory_space<hbm>> -> memref<4x128x128xf32, #tpu.memory_space<hbm>>
      tpu.wait_dma2 semaphore(%run_scoped3A_343 : memref<!tpu.dma_semaphore, #tpu.memory_space<semaphore_mem>>) src(%arg7 : memref<4x128x128xf32, #tpu.memory_space<vmem>>) dst(%dma_wait3A_355 : memref<4x128x128xf32, #tpu.memory_space<hbm>>)
      tpu.yield
    }) : () -> ()
    %barrier3A_340 = arith.constant 0 : index
    tpu.barrier barrier_id(%barrier3A_340)
    %eq3A = arith.constant 0 : i32
    %eq3A_341 = arith.cmpi eq, %arg1, %eq3A : i32
    %convert_element_type3A = arith.extui %eq3A_341 : i1 to i32
    %cond3A = arith.constant 0 : i32
    %cond3A_342 = arith.cmpi ne, %convert_element_type3A, %cond3A : i32
    scf.if %cond3A_342 {
      "tpu.region"() ({
        %run_scoped3A_344 = tpu.sem_alloc : memref<!tpu.dma_semaphore, #tpu.memory_space<semaphore_mem>>
        tpu.enqueue_dma source(%arg10 : memref<8192xf32, #tpu.memory_space<vmem_shared>>) target(%arg11 : memref<8192xf32, #tpu.memory_space<vmem>>) target_semaphore(%run_scoped3A_344 : memref<!tpu.dma_semaphore, #tpu.memory_space<semaphore_mem>>)
        tpu.wait_dma2 semaphore(%run_scoped3A_344 : memref<!tpu.dma_semaphore, #tpu.memory_space<semaphore_mem>>) src(%arg10 : memref<8192xf32, #tpu.memory_space<vmem_shared>>) dst(%arg11 : memref<8192xf32, #tpu.memory_space<vmem>>)
        tpu.yield
      }) : () -> ()
      %run_scoped3A_343 = arith.constant 0 : i32
      "tpu.region"() ({
        %run_scoped3A_344 = tpu.sem_alloc : memref<!tpu.dma_semaphore, #tpu.memory_space<semaphore_mem>>
        %dma_start3A_345 = arith.constant 0 : i32
        %dma_start3A_346 = tpu.memref_slice %arg5[%run_scoped3A_343, %dma_start3A_345] : memref<1x8192xf32, #tpu.memory_space<hbm>> -> memref<1x8192xf32, #tpu.memory_space<hbm>>
        %dma_start3A_347 = tpu.memref_squeeze %dma_start3A_346 : memref<1x8192xf32, #tpu.memory_space<hbm>> -> memref<8192xf32, #tpu.memory_space<hbm>>
        %dma_start3A_348 = arith.constant 0 : i32
        %dma_start3A_349 = tpu.memref_slice %arg5[%run_scoped3A_343, %dma_start3A_348] : memref<1x8192xf32, #tpu.memory_space<hbm>> -> memref<1x8192xf32, #tpu.memory_space<hbm>>
        %dma_start3A_350 = tpu.memref_squeeze %dma_start3A_349 : memref<1x8192xf32, #tpu.memory_space<hbm>> -> memref<8192xf32, #tpu.memory_space<hbm>>
        tpu.enqueue_dma source(%arg11 : memref<8192xf32, #tpu.memory_space<vmem>>) target(%dma_start3A_350 : memref<8192xf32, #tpu.memory_space<hbm>>) target_semaphore(%run_scoped3A_344 : memref<!tpu.dma_semaphore, #tpu.memory_space<semaphore_mem>>)
        %dma_wait3A_351 = arith.constant 0 : i32
        %dma_wait3A_352 = tpu.memref_slice %arg5[%run_scoped3A_343, %dma_wait3A_351] : memref<1x8192xf32, #tpu.memory_space<hbm>> -> memref<1x8192xf32, #tpu.memory_space<hbm>>
        %dma_wait3A_353 = tpu.memref_squeeze %dma_wait3A_352 : memref<1x8192xf32, #tpu.memory_space<hbm>> -> memref<8192xf32, #tpu.memory_space<hbm>>
        %dma_wait3A_354 = arith.constant 0 : i32
        %dma_wait3A_355 = tpu.memref_slice %arg5[%run_scoped3A_343, %dma_wait3A_354] : memref<1x8192xf32, #tpu.memory_space<hbm>> -> memref<1x8192xf32, #tpu.memory_space<hbm>>
        %dma_wait3A_356 = tpu.memref_squeeze %dma_wait3A_355 : memref<1x8192xf32, #tpu.memory_space<hbm>> -> memref<8192xf32, #tpu.memory_space<hbm>>
        tpu.wait_dma2 semaphore(%run_scoped3A_344 : memref<!tpu.dma_semaphore, #tpu.memory_space<semaphore_mem>>) src(%arg11 : memref<8192xf32, #tpu.memory_space<vmem>>) dst(%dma_wait3A_356 : memref<8192xf32, #tpu.memory_space<hbm>>)
        tpu.yield
      }) : () -> ()
    } else {
    }
    return
  }
}

module attributes {stable_mosaic.version = 14 : i64} {
  func.func @_vq_tile(%arg0: i32, %arg1: memref<256x32xf32, #tpu.memory_space<vmem>>, %arg2: memref<8192x32xf32, #tpu.memory_space<vmem>>, %arg3: memref<256x1xf32, #tpu.memory_space<vmem>>, %arg4: memref<1x8192xf32, #tpu.memory_space<vmem>>, %arg5: memref<256xi32, #tpu.memory_space<vmem>>, %arg6: memref<1x1xf32, #tpu.memory_space<vmem>>) attributes {dimension_semantics = [#tpu.dimension_semantics<arbitrary>], iteration_bounds = array<i64: 32>, scalar_prefetch = 0 : i64, scratch_operands = 0 : i64, tpu.core_type = #tpu.core_type<tc>, window_params = [{transform_indices = @transform_0, window_bounds = array<i64: 256, 32>}, {pipeline_mode = #tpu.pipeline_mode<synchronous>, transform_indices = @transform_1, window_bounds = array<i64: 8192, 32>}, {transform_indices = @transform_2, window_bounds = array<i64: 256, 1>}, {pipeline_mode = #tpu.pipeline_mode<synchronous>, transform_indices = @transform_3, window_bounds = array<i64: 1, 8192>}, {transform_indices = @transform_4, window_bounds = array<i64: 256>}, {pipeline_mode = #tpu.pipeline_mode<synchronous>, transform_indices = @transform_5, window_bounds = array<i64: 1, 1>}]} {
    %get3A = arith.constant 0 : index
    %get3A_0 = arith.constant 0 : index
    %get3A_1 = vector.load %arg1[%get3A, %get3A_0] : memref<256x32xf32, #tpu.memory_space<vmem>>, vector<256x32xf32>
    %get3A_2 = arith.constant 0 : index
    %get3A_3 = arith.constant 0 : index
    %get3A_4 = vector.load %arg2[%get3A_2, %get3A_3] : memref<8192x32xf32, #tpu.memory_space<vmem>>, vector<8192x32xf32>
    %dot_general3A = arith.constant dense<0.000000e+00> : vector<256x8192xf32>
    %dot_general3A_5 = tpu.matmul %get3A_1, %get3A_4, %dot_general3A {dimension_numbers = #tpu.dot_dimension_numbers<[1], [1], [0], [0], [0, 0, 1, 0], [], []>, transpose_lhs_hint = false} : vector<256x32xf32>, vector<8192x32xf32>, vector<256x8192xf32> -> vector<256x8192xf32>
    %get3A_6 = arith.constant 0 : index
    %get3A_7 = arith.constant 0 : index
    %get3A_8 = vector.load %arg3[%get3A_6, %get3A_7] : memref<256x1xf32, #tpu.memory_space<vmem>>, vector<256x1xf32>
    %get3A_9 = arith.constant 0 : index
    %get3A_10 = arith.constant 0 : index
    %get3A_11 = vector.load %arg4[%get3A_9, %get3A_10] : memref<1x8192xf32, #tpu.memory_space<vmem>>, vector<1x8192xf32>
    %add3A = vector.broadcast %get3A_8 : vector<256x1xf32> to vector<256x8192xf32>
    %add3A_12 = vector.broadcast %get3A_11 : vector<1x8192xf32> to vector<256x8192xf32>
    %add3A_13 = arith.addf %add3A, %add3A_12 : vector<256x8192xf32>
    %mul3A = arith.constant 2.000000e+00 : f32
    %mul3A_14 = vector.broadcast %mul3A : f32 to vector<256x8192xf32>
    %mul3A_15 = arith.mulf %mul3A_14, %dot_general3A_5 : vector<256x8192xf32>
    %sub3A = arith.subf %add3A_13, %mul3A_15 : vector<256x8192xf32>
    %slice3A = vector.extract_strided_slice %sub3A {offsets = [0, 0], sizes = [256, 4096], strides = [1, 1]} : vector<256x8192xf32> to vector<256x4096xf32>
    %slice3A_16 = vector.extract_strided_slice %sub3A {offsets = [0, 4096], sizes = [256, 4096], strides = [1, 1]} : vector<256x8192xf32> to vector<256x4096xf32>
    %reduce_min3A = arith.constant dense<0x7F800000> : vector<256xf32>
    %reduce_min3A_17 = vector.multi_reduction <minimumf>, %slice3A, %reduce_min3A [1] : vector<256x4096xf32> to vector<256xf32>
    %broadcast_in_dim3A = vector.shape_cast %reduce_min3A_17 : vector<256xf32> to vector<256x1xf32>
    %reduce_min3A_18 = arith.constant dense<0x7F800000> : vector<256xf32>
    %reduce_min3A_19 = vector.multi_reduction <minimumf>, %slice3A_16, %reduce_min3A_18 [1] : vector<256x4096xf32> to vector<256xf32>
    %broadcast_in_dim3A_20 = vector.shape_cast %reduce_min3A_19 : vector<256xf32> to vector<256x1xf32>
    %iota3A = tpu.iota {dimensions = array<i32: 1>} : vector<256x4096xi32>
    %eq3A = vector.broadcast %broadcast_in_dim3A : vector<256x1xf32> to vector<256x4096xf32>
    %eq3A_21 = arith.cmpf oeq, %slice3A, %eq3A : vector<256x4096xf32>
    %jit3A = arith.constant 4096 : i32
    %broadcast_in_dim3A_22 = vector.broadcast %jit3A : i32 to vector<256x4096xi32>
    %select_n3A = arith.select %eq3A_21, %iota3A, %broadcast_in_dim3A_22 : vector<256x4096xi1>, vector<256x4096xi32>
    %reduce_min3A_23 = arith.constant dense<2147483647> : vector<256xi32>
    %reduce_min3A_24 = vector.multi_reduction <minsi>, %select_n3A, %reduce_min3A_23 [1] : vector<256x4096xi32> to vector<256xi32>
    %eq3A_25 = vector.broadcast %broadcast_in_dim3A_20 : vector<256x1xf32> to vector<256x4096xf32>
    %eq3A_26 = arith.cmpf oeq, %slice3A_16, %eq3A_25 : vector<256x4096xf32>
    %jit3A_27 = arith.constant 4096 : i32
    %broadcast_in_dim3A_28 = vector.broadcast %jit3A_27 : i32 to vector<256x4096xi32>
    %select_n3A_29 = arith.select %eq3A_26, %iota3A, %broadcast_in_dim3A_28 : vector<256x4096xi1>, vector<256x4096xi32>
    %reduce_min3A_30 = arith.constant dense<2147483647> : vector<256xi32>
    %reduce_min3A_31 = vector.multi_reduction <minsi>, %select_n3A_29, %reduce_min3A_30 [1] : vector<256x4096xi32> to vector<256xi32>
    %add3A_32 = arith.constant 4096 : i32
    %add3A_33 = vector.broadcast %add3A_32 : i32 to vector<256xi32>
    %add3A_34 = arith.addi %reduce_min3A_31, %add3A_33 : vector<256xi32>
    %convert_element_type3A = arith.truncf %broadcast_in_dim3A : vector<256x1xf32> to vector<256x1xbf16>
    %convert_element_type3A_35 = arith.extf %convert_element_type3A : vector<256x1xbf16> to vector<256x1xf32>
    %le3A = arith.cmpf ole, %convert_element_type3A_35, %broadcast_in_dim3A_20 : vector<256x1xf32>
    %squeeze3A = vector.shape_cast %le3A : vector<256x1xi1> to vector<256xi1>
    %select_n3A_36 = arith.select %squeeze3A, %reduce_min3A_24, %add3A_34 : vector<256xi1>, vector<256xi32>
    %swap3A = arith.constant 0 : index
    %swap3A_37 = vector.load %arg5[%swap3A] : memref<256xi32, #tpu.memory_space<vmem>>, vector<256xi32>
    tpu.vector_store %arg5[%swap3A], %select_n3A_36 {strides = array<i32>} : memref<256xi32, #tpu.memory_space<vmem>>, vector<256xi32>,
    %select_n3A_38 = arith.select %le3A, %broadcast_in_dim3A, %broadcast_in_dim3A_20 : vector<256x1xi1>, vector<256x1xf32>
    %reduce_sum3A = vector.shape_cast %select_n3A_38 : vector<256x1xf32> to vector<1x256x1xf32>
    %reduce_sum3A_39 = arith.constant dense<0.000000e+00> : vector<1xf32>
    %reduce_sum3A_40 = vector.multi_reduction <add>, %reduce_sum3A, %reduce_sum3A_39 [1, 2] : vector<1x256x1xf32> to vector<1xf32>
    %reduce_sum3A_41 = vector.shape_cast %reduce_sum3A_40 : vector<1xf32> to vector<1x1x1xf32>
    %reduce_sum3A_42 = vector.extract %reduce_sum3A_41[0, 0, 0] : f32 from vector<1x1x1xf32>
    %reshape3A = vector.broadcast %reduce_sum3A_42 : f32 to vector<1x1xf32>
    %eq3A_43 = arith.constant 0 : i32
    %eq3A_44 = arith.cmpi eq, %arg0, %eq3A_43 : i32
    %convert_element_type3A_45 = arith.extui %eq3A_44 : i1 to i32
    %cond3A = arith.constant 0 : i32
    %cond3A_46 = arith.cmpi ne, %convert_element_type3A_45, %cond3A : i32
    scf.if %cond3A_46 {
      %swap3A_51 = arith.constant 0 : index
      %swap3A_52 = arith.constant 0 : index
      %swap3A_53 = vector.load %arg6[%swap3A_51, %swap3A_52] : memref<1x1xf32, #tpu.memory_space<vmem>>, vector<1x1xf32>
      tpu.vector_store %arg6[%swap3A_51, %swap3A_52], %reshape3A {strides = array<i32>} : memref<1x1xf32, #tpu.memory_space<vmem>>, vector<1x1xf32>,
    } else {
    }
    %ne3A = arith.constant 0 : i32
    %ne3A_47 = arith.cmpi ne, %arg0, %ne3A : i32
    %convert_element_type3A_48 = arith.extui %ne3A_47 : i1 to i32
    %cond3A_49 = arith.constant 0 : i32
    %cond3A_50 = arith.cmpi ne, %convert_element_type3A_48, %cond3A_49 : i32
    scf.if %cond3A_50 {
      %get3A_51 = arith.constant 0 : index
      %get3A_52 = arith.constant 0 : index
      %get3A_53 = vector.load %arg6[%get3A_51, %get3A_52] : memref<1x1xf32, #tpu.memory_space<vmem>>, vector<1x1xf32>
      %add3A_54 = arith.addf %get3A_53, %reshape3A : vector<1x1xf32>
      %swap3A_55 = arith.constant 0 : index
      %swap3A_56 = arith.constant 0 : index
      %swap3A_57 = vector.load %arg6[%swap3A_55, %swap3A_56] : memref<1x1xf32, #tpu.memory_space<vmem>>, vector<1x1xf32>
      tpu.vector_store %arg6[%swap3A_55, %swap3A_56], %add3A_54 {strides = array<i32>} : memref<1x1xf32, #tpu.memory_space<vmem>>, vector<1x1xf32>,
    } else {
    }
    return
  }
  func.func @transform_0(%arg0: i32) -> (i32, i32) {
    %c0_i32 = arith.constant 0 : i32
    %c0_i32_0 = arith.constant 0 : i32
    return %arg0, %c0_i32 : i32, i32
  }
  func.func @transform_1(%arg0: i32) -> (i32, i32) {
    %c0_i32 = arith.constant 0 : i32
    %c0_i32_0 = arith.constant 0 : i32
    %c0_i32_1 = arith.constant 0 : i32
    return %c0_i32, %c0_i32_0 : i32, i32
  }
  func.func @transform_2(%arg0: i32) -> (i32, i32) {
    %c0_i32 = arith.constant 0 : i32
    %c0_i32_0 = arith.constant 0 : i32
    return %arg0, %c0_i32 : i32, i32
  }
  func.func @transform_3(%arg0: i32) -> (i32, i32) {
    %c0_i32 = arith.constant 0 : i32
    %c0_i32_0 = arith.constant 0 : i32
    %c0_i32_1 = arith.constant 0 : i32
    return %c0_i32, %c0_i32_0 : i32, i32
  }
  func.func @transform_4(%arg0: i32) -> i32 {
    %c0_i32 = arith.constant 0 : i32
    return %arg0 : i32
  }
  func.func @transform_5(%arg0: i32) -> (i32, i32) {
    %c0_i32 = arith.constant 0 : i32
    %c0_i32_0 = arith.constant 0 : i32
    %c0_i32_1 = arith.constant 0 : i32
    return %c0_i32, %c0_i32_0 : i32, i32
  }
}

module attributes {stable_mosaic.version = 14 : i64} {
  func.func @_finalize(%arg0: memref<1x8192xf32, #tpu.memory_space<vmem>>, %arg1: memref<1x1xf32, #tpu.memory_space<vmem>>, %arg2: memref<1x1xf32, #tpu.memory_space<vmem>>, %arg3: memref<1x1xf32, #tpu.memory_space<vmem>>) attributes {dimension_semantics = [], scalar_prefetch = 0 : i64, scratch_operands = 0 : i64, tpu.core_type = #tpu.core_type<tc>} {
    %get3A = arith.constant 0 : index
    %get3A_0 = arith.constant 0 : index
    %get3A_1 = vector.load %arg0[%get3A, %get3A_0] : memref<1x8192xf32, #tpu.memory_space<vmem>>, vector<1x8192xf32>
    %div3A = arith.constant 8.192000e+03 : f32
    %div3A_2 = vector.broadcast %div3A : f32 to vector<1x8192xf32>
    %div3A_3 = arith.divf %get3A_1, %div3A_2 : vector<1x8192xf32>
    %add3A = arith.constant 1.000000e-10 : f32
    %add3A_4 = vector.broadcast %add3A : f32 to vector<1x8192xf32>
    %add3A_5 = arith.addf %div3A_3, %add3A_4 : vector<1x8192xf32>
    %log3A = math.log %add3A_5 : vector<1x8192xf32>
    %mul3A = arith.mulf %div3A_3, %log3A : vector<1x8192xf32>
    %reduce_sum3A = vector.shape_cast %mul3A : vector<1x8192xf32> to vector<1x1x8192xf32>
    %reduce_sum3A_6 = arith.constant dense<0.000000e+00> : vector<1xf32>
    %reduce_sum3A_7 = vector.multi_reduction <add>, %reduce_sum3A, %reduce_sum3A_6 [1, 2] : vector<1x1x8192xf32> to vector<1xf32>
    %reduce_sum3A_8 = vector.shape_cast %reduce_sum3A_7 : vector<1xf32> to vector<1x1x1xf32>
    %reduce_sum3A_9 = vector.extract %reduce_sum3A_8[0, 0, 0] : f32 from vector<1x1x1xf32>
    %neg3A = arith.constant 0.000000e+00 : f32
    %neg3A_10 = arith.subf %neg3A, %reduce_sum3A_9 : f32
    %exp3A = math.exp %neg3A_10 : f32
    %reshape3A = vector.broadcast %exp3A : f32 to vector<1x1xf32>
    %swap3A = arith.constant 0 : index
    %swap3A_11 = arith.constant 0 : index
    %swap3A_12 = vector.load %arg3[%swap3A, %swap3A_11] : memref<1x1xf32, #tpu.memory_space<vmem>>, vector<1x1xf32>
    tpu.vector_store %arg3[%swap3A, %swap3A_11], %reshape3A {strides = array<i32>} : memref<1x1xf32, #tpu.memory_space<vmem>>, vector<1x1xf32>,
    %get3A_13 = arith.constant 0 : index
    %get3A_14 = arith.constant 0 : index
    %get3A_15 = vector.load %arg1[%get3A_13, %get3A_14] : memref<1x1xf32, #tpu.memory_space<vmem>>, vector<1x1xf32>
    %get3A_16 = vector.extract %get3A_15[0, 0] : f32 from vector<1x1xf32>
    %div3A_17 = arith.constant 2.621440e+05 : f32
    %div3A_18 = arith.divf %get3A_16, %div3A_17 : f32
    %mul3A_19 = arith.constant 5.000000e-02 : f32
    %mul3A_20 = arith.mulf %div3A_18, %mul3A_19 : f32
    %add3A_21 = arith.addf %mul3A_20, %div3A_18 : f32
    %reshape3A_22 = vector.broadcast %add3A_21 : f32 to vector<1x1xf32>
    %swap3A_23 = arith.constant 0 : index
    %swap3A_24 = arith.constant 0 : index
    %swap3A_25 = vector.load %arg2[%swap3A_23, %swap3A_24] : memref<1x1xf32, #tpu.memory_space<vmem>>, vector<1x1xf32>
    tpu.vector_store %arg2[%swap3A_23, %swap3A_24], %reshape3A_22 {strides = array<i32>} : memref<1x1xf32, #tpu.memory_space<vmem>>, vector<1x1xf32>,
    return
  }
}

</mosaic_0001>

<sc_bundles>
// kernel: kernel.5.cloned.1.call-start
scs
__scs_entry_jumppad:
0x0: {  	(pc) =	sbr.rel $0x88, $3  }
0x1: {  	(tag) =	ssettag $0x0;
	lr =	simm.s32 $0x1  }
0x2: {  	[smem:$0x3F9F] =	sst lr;
	_ =	strace $0xD0000000  }
0x3: {  	_ = 	snop  }
0x4: {  	_ = 	snop  }
0x5: {  	_ = 	snop  }
0x6: {  	_ = 	snop  }
0x7: {  	_ = 	snop  }
__scs_overlays_trampoline_lowered:
0x8: {  	[smem:$0x3FAE] =	sst s0  }
0x9: {  	[smem:$0x3FAF] =	sst s1  }
0xa: {  	[smem:$0x3FB0] =	sst s2  }
0xb: {  	[smem:$0x3FB1] =	sst s3  }
0xc: {  	[smem:$0x3FB2] =	sst s4  }
0xd: {  	[smem:$0x3FB3] =	sst s5  }
0xe: {  	[smem:$0x3FB4] =	sst s6  }
0xf: {  	[smem:$0x3FB5] =	sst s7  }
0x10: {  	[smem:$0x3FB6] =	sst s8  }
0x11: {  	[smem:$0x3FB7] =	sst s9;
	s0 =	simm.s32 @!p0 $0x0  }
0x12: {  	s1 =	sld [smem:$0x3F9D];
	s0 =	simm.s32 @p0 $0x1  }
0x13: {  	[smem:$0x3FB8] =	sst s0;
	s0 =	simm.s32 @!p1 $0x0  }
0x14: {  	s2 =	sld [smem:$0x3F9C];
	s0 =	simm.s32 @p1 $0x1  }
0x15: {  	[smem:$0x3FB9] =	sst s0;
	s0 =	simm.s32 @!p2 $0x0  }
0x16: {  	s3 =	sld [smem:$0x3FDB];
	s0 =	simm.s32 @p2 $0x1  }
0x17: {  	s4 =	simm.s32 $0x1BF5;
	[smem:$0x3FBB] =	sst s0  }
0x18: {  	s0 =	sld [smem:$0x3F9E];
	_ =	swait.ge [sflag:s4], $0x0  }
0x19: {  	s7 =	sld [smem:$0x3F9F]  }
0x1a: {  	s8 =	sadd.s32 $0xFFFFE003, lr  }
0x1b: {  	s9 =	sadd.s32 $0xFFFFFEF7, lr;
	s5 =	simm.s32 $0xFFFFFFFF;
	p2 =	slt.u32 s8, $0xFFFFF086  }
0x1c: {  	p1 =	slt.u32 s9, $0xF7A;
	s5 =	simm.s32 @!p2 $0x0  }
0x1d: {  	s5 =	simm.s32 @p1 $0x1;
	p0 =	seq.s32 s7, s2  }
0x1e: {  	s7 =	smul.u32 @!p0 $0xF7A, s2;
	p2 =	seq.s32 @!p0 s5, $0x0  }
0x1f: {  	s9 =	smul.u32 $0xF7A, s1;
	s8 =	simm.s32 @!p0 $0x1BF5;
	p2 =	por !p2, p0  }
0x20: {  	[sflag:s8] =	ssyncset.s32 @!p0 $0xFFFFF086;
	s6 =	sadd.s32 @!p0 s3, s7;
	s7 =	simm.s32 @!p0 $0x108  }
0x21: {  	s3 =	sadd.s32 s3, s9;
	s6 =	sadd.s32 @!p0 $0x88, s6;
	s7 =	simm.s32 @p2 $0x1082  }
0x22: {  	[simem:s7], [sflag:s8] =	dma.local @!p0 [hbm:s6], $0xF7A  }
0x23: {  	s9 =	sor.u32 $0xD0000000, s2;
	s6 =	simm.s32 $0x108;
	_ =	swait.ge @!p0 [sflag:s8], $0x0  }
0x24: {  	s3 =	sadd.s32 $0x88, s3;
	s6 =	simm.s32 @!p1 $0x1082;
	[sflag:s4] =	ssyncset.s32 $0xFFFFF086  }
0x25: {  	[simem:s6], [sflag:s4] =	dma.local [hbm:s3], $0xF7A  }
0x26: {  	[smem:$0x3F9F] =	sst s1;
	(tag) =	ssettag s2;
	_ =	strace s9  }
0x27: {  	s1 =	sld [smem:$0x3FAF]  }
0x28: {  	s2 =	sld [smem:$0x3FB0]  }
0x29: {  	s4 =	sld [smem:$0x3FB2]  }
0x2a: {  	p0 =	seq.s32 s5, $0x0;
	s5 =	sld [smem:$0x3FB3]  }
0x2b: {  	s6 =	sld [smem:$0x3FB4]  }
0x2c: {  	s7 =	sld [smem:$0x3FB5]  }
0x2d: {  	s3 =	simm.s32 $0x108;
	s8 =	sld [smem:$0x3FB6]  }
0x2e: {  	s3 =	simm.s32 @!p0 $0x1082;
	s9 =	sld [smem:$0x3FB7]  }
0x2f: {  	lr =	sadd.s32 s0, s3;
	s0 =	sld [smem:$0x3FAE]  }
0x30: {  	s3 =	sld [smem:$0x3FB1]  }
0x31: {  	[smem:$0x3FBA] =	sst s10  }
0x32: {  	s10 =	sld [smem:$0x3FB8];
	_ =	sdelay $0x3  }
0x33: {  	p0 =	seq.s32 s10, $0x1;
	s10 =	sld [smem:$0x3FBA];
	_ =	sdelay $0x3  }
0x34: {  	[smem:$0x3FBA] =	sst s10  }
0x35: {  	s10 =	sld [smem:$0x3FB9];
	_ =	sdelay $0x3  }
0x36: {  	p1 =	seq.s32 s10, $0x1;
	s10 =	sld [smem:$0x3FBA];
	_ =	sdelay $0x3  }
0x37: {  	[smem:$0x3FBA] =	sst s10  }
0x38: {  	s10 =	sld [smem:$0x3FBB]  }
0x39: {  	_ = 	snop;
	(pc) =	sbr.ind lr, $3  }
0x3a: {  	_ = 	snop  }
0x3b: {  	_ = 	snop  }
0x3c: {  	p2 =	seq.s32 s10, $0x1;
	s10 =	sld [smem:$0x3FBA]  }
0x3d: {  	_ =	shalt  }
0x3e: {  	_ =	shalt  }
0x3f: {  	_ =	shalt  }
0x40: {  	_ =	shalt  }
0x41: {  	_ =	shalt  }
0x42: {  	_ =	shalt  }
0x43: {  	_ =	shalt  }
0x44: {  	_ =	shalt  }
0x45: {  	_ =	shalt  }
0x46: {  	_ =	shalt  }
0x47: {  	_ =	shalt  }
0x48: {  	_ =	shalt  }
0x49: {  	_ =	shalt  }
0x4a: {  	_ =	shalt  }
0x4b: {  	_ =	shalt  }
0x4c: {  	_ =	shalt  }
0x4d: {  	_ =	shalt  }
0x4e: {  	_ =	shalt  }
0x4f: {  	_ =	shalt  }
0x50: {  	_ =	shalt  }
0x51: {  	_ =	shalt  }
0x52: {  	_ =	shalt  }
0x53: {  	_ =	shalt  }
0x54: {  	_ =	shalt  }
0x55: {  	_ =	shalt  }
0x56: {  	_ =	shalt  }
0x57: {  	_ =	shalt  }
0x58: {  	_ =	shalt  }
0x59: {  	_ =	shalt  }
0x5a: {  	_ =	shalt  }
0x5b: {  	_ =	shalt  }
0x5c: {  	_ =	shalt  }
0x5d: {  	_ =	shalt  }
0x5e: {  	_ =	shalt  }
0x5f: {  	_ =	shalt  }
0x60: {  	_ =	shalt  }
0x61: {  	_ =	shalt  }
0x62: {  	_ =	shalt  }
0x63: {  	_ =	shalt  }
0x64: {  	_ =	shalt  }
0x65: {  	_ =	shalt  }
0x66: {  	_ =	shalt  }
0x67: {  	_ =	shalt  }
0x68: {  	_ =	shalt  }
0x69: {  	_ =	shalt  }
0x6a: {  	_ =	shalt  }
0x6b: {  	_ =	shalt  }
0x6c: {  	_ =	shalt  }
0x6d: {  	_ =	shalt  }
0x6e: {  	_ =	shalt  }
0x6f: {  	_ =	shalt  }
0x70: {  	_ =	shalt  }
0x71: {  	_ =	shalt  }
0x72: {  	_ =	shalt  }
0x73: {  	_ =	shalt  }
0x74: {  	_ =	shalt  }
0x75: {  	_ =	shalt  }
0x76: {  	_ =	shalt  }
0x77: {  	_ =	shalt  }
0x78: {  	_ =	shalt  }
0x79: {  	_ =	shalt  }
0x7a: {  	_ =	shalt  }
0x7b: {  	_ =	shalt  }
0x7c: {  	_ =	shalt  }
0x7d: {  	_ =	shalt  }
0x7e: {  	_ =	shalt  }
0x7f: {  	_ =	shalt  }
0x80: {  	_ =	shalt  }
0x81: {  	_ =	shalt  }
0x82: {  	_ =	shalt  }
0x83: {  	_ =	shalt  }
0x84: {  	_ =	shalt  }
0x85: {  	_ =	shalt  }
0x86: {  	_ =	shalt  }
0x87: {  	_ =	shalt  }
.Lfunc_end0:
.L_simem_size_0:
called_computation_lowered:
.L_overlay_start_0:
0x88: {  	s0 =	sld [smem:$0x3FD9]  }
0x89: {  	s1 =	sld [smem:$0x3FFE];
	_ =	sdelay $0x3  }
0x8a: {  	s0 =	sadd.s32 s1, s0  }
0x8b: {  	[smem:$0x3FC6] =	sst s0  }
0x8c: {  	_ = 	snop  }
0x8d: {  	s0 =	sld [smem:$0x3FD0];
	_ =	sdelay $0x2  }
0x8e: {  	s13 =	simm.s32 $0xA;
	s2 =	simm.s32 $0x10  }
0x8f: {  	[smem:s2], [sflag:s13] =	dma.local [hbm:s0], $0x1  }
0x90: {  	_ =	swait.eq [sflag:s13], $0x1  }
0x91: {  	[sflag:s13] =	ssyncset.done $0x0  }
0x92: {  	[sflag:s13] =	ssyncadd.s32 $0xFFFFFFFF  }
0x93: {  	s14 =	sld [smem:$0x13];
	(tm) =	ssettm $0x1  }
0x94: {  	s15 =	sld [smem:$0x3FFB];
	_ =	sdelay $0x3  }
0x95: {  	_ =	strace s15  }
0x96: {  	s1 =	sld [smem:$0x3FFC];
	_ =	sdelay $0x3  }
0x97: {  	_ =	strace s1  }
0x98: {  	s1 =	sld [smem:$0x3FFD];
	_ =	sdelay $0x3  }
0x99: {  	_ =	strace s1  }
0x9a: {  	_ =	strace $0x8FFFFFFF  }
0x9b: {  	s16 =	sld [smem:$0x3FDB];
	_ =	sdelay $0x1  }
0x9c: {  	s17 =	simm.s32 $_scs_section_size  }
0x9d: {  	s3 =	simm.s32 $_size__tile_overlayer_lowered;
	s4 =	simm.s32 $_tile_overlayer_lowered  }
0x9e: {  	s20 =	simm.s32 $0x1BFF;
	s19 =	sshll.u32 s4, $0x1;
	s1 =	sadd.s32 s17, s16  }
0x9f: {  	s5 =	simm.s32 $0x0;
	s18 =	sshll.u32 s3, $0x1;
	s3 =	sadd.s32 s19, s1  }
0xa0: {  	[timem:s5], [sflag:s20] =	dma.local [hbm:s3], s18  }
0xa1: {  	_ =	swait.ge [sflag:s20], s18  }
0xa2: {  	s2 =	ssub.s32 $0x0, s18;
	[sflag:s20] =	ssyncset.done $0x0  }
0xa3: {  	[sflag:s20] =	ssyncadd.s32 s2;
	_ =	sdelay $0x1  }
0xa4: {  	s21 =	simm.s32 $0x1B8B  }
0xa5: {  	_ =	swait.ge [sflag:s21], $0x1  }
0xa6: {  	[sflag:s21] =	ssyncset.done $0x0  }
0xa7: {  	s23 =	simm.s32 $0x1B8E;
	s22 =	sld [smem:$0x3FFE];
	[sflag:s21] =	ssyncadd.s32 $0xFFFFFFFF  }
0xa8: {  	s24 =	simm.s32 $execute0_lowered;
	[smem:$0x3FD2] =	sst s23  }
0xa9: {  	s3 =	sshll.u32 s24, $0x1;
	_ =	strace $0x80000046;
	[dreg:$0x1] =	wrdreg $0xFFFFFFFF  }
0xaa: {  	s25 =	simm.s32 $_size_execute0_lowered;
	s1 =	sadd.s32 s1, s3;
	[dreg:$0x0] =	wrdreg $0x0  }
0xab: {  	s3 =	sshll.u32 s25, $0x1;
	[dreg:$0x2] =	wrdreg s1  }
0xac: {  	[dreg:$0x3] =	wrdreg s3  }
0xad: {  	[dreg:$0x4] =	wrdreg $0xC0  }
0xae: {  	_ =	task [dreg:s5], $0x5FFFF  }
0xaf: {  	[dreg:$0x1] =	wrdreg $0xFFFFFFFF  }
0xb0: {  	[dreg:$0x0] =	wrdreg $0x60  }
0xb1: {  	[dreg:$0x2] =	wrdreg s22  }
0xb2: {  	[dreg:$0x3] =	wrdreg s14  }
0xb3: {  	[dreg:$0x4] =	wrdreg $0x104800  }
0xb4: {  	[dreg:$0x5] =	wrdreg $0x9  }
0xb5: {  	_ =	task.clear_ibuf [dreg:s5], $0x6FFFF;
	_ =	strace $0x90000046  }
0xb6: {  	s26 =	simm.s32 $0x9;
	_ =	strace $0x80000048  }
0xb7: {  	_ =	swait.ge [sflag:s26], $0x1  }
0xb8: {  	[sflag:s26] =	ssyncadd.s32 $0xFFFFFFFF  }
0xb9: {  	_ =	strace $0x90000048  }
0xba: {  	_ =	sfence  }
0xbb: {  	s28 =	sld [smem:$0x0];
	_ =	sdelay $0x1  }
0xbc: {  	s29 =	srdreg.scid  }
0xbd: {  	s30 =	sshll.u32 s29, $0xD;
	s31 =	sshrl.u32 s29, $0x2  }
0xbe: {  	s2 =	sand.u32 $0x4000, s30;
	s1 =	sand.u32 $0x1, s29;
	s0 =	sadd.s32 s31, s28  }
0xbf: {  	s1 =	sor.u32 s2, s1;
	s0 =	sshll.u32 s0, $0x11  }
0xc0: {  	s0 =	sor.u32 s0, s1  }
0xc1: {  	s0 =	sadd.s32 $0x8F2B, s0  }
0xc2: {  	[sflag:s0] =	ssyncadd.remote.s32 $0x1  }
0xc3: {  	_ =	sfence.sel $0xFFFF  }
0xc4: {  	[dreg:$0x0] =	wrdreg $0xFFFFFFFF;
	(pc) =	sbr.abs _section_cstart, $3  }
0xc5: {  	[dreg:$0x1] =	wrdreg $0xFFFFFFFF  }
0xc6: {  	_ =	task.clear_ibuf [dreg:s5], $0x2FFFF;
	_ =	strace $0x9FFFFFFF  }
0xc7: {  	(tm) =	ssettm $0x7FFFFFFF  }
tec
execute0_lowered:
.L_overlay_start_1:
0x0: {  	(tag) =	ssettag $0x1  }
0x1: {  	s1 =	rddreg [dreg:$0x0]  }
0x2: {  	s5 =	rddreg [dreg:$0x1]  }
0x3: {  	s2 =	rddreg [dreg:$0x2]  }
0x4: {  	s0 =	rddreg [dreg:$0x3];
	s4 =	simm.s32 $0x0;
	s3 =	stileid.u32  }
0x5: {  	[smem:$0x7FF] =	sst s4;
	s6 =	sshll.u32 s3, $0x6  }
0x6: {  	s22 =	simm.s32 $0x2;
	_ =	strace $0x80000047;
	s5 =	sadd.s32 s5, s6  }
0x7: {  	[tilespmem:s4], [sflag:$0x2] =	stream.linear.gather [hbm4b:s5+s4], $0x200, $0x38;
	[tilespmem:$0x12680] =	vst v63  }
0x8: {  	_ =	swait.ge [sflag:s22], $0x200  }
0x9: {  	s7 =	simm.s32 $0x80;
	[sflag:s22] =	ssyncset.done $0x0  }
0xa: {  	s23 =	simm.s32 $0x200;
	s10 =	sadd.s32 $0xA00, s1;
	[sflag:s22] =	ssyncadd.s32 $0xFFFFFE00  }
0xb: {  	[tilespmem:s23], [sflag:$0x1] =	stream.indirect.gather [hbm4b:s10+s7], $0x80, s4, s7, $0xb8;
	[tilespmem:$0x12680] =	vst v63  }
0xc: {  	s8 =	simm.s32 $0x4200  }
0xd: {  	[tilespmem:s8], [sflag:$0x1] =	stream.indirect.gather [hbm4b:s10+s7], $0x80, s7, s7, $0xb8;
	[tilespmem:$0x12680] =	vst v63  }
0xe: {  	s9 =	simm.s32 $0x100;
	s24 =	simm.s32 $0x8200  }
0xf: {  	[tilespmem:s24], [sflag:$0x1] =	stream.indirect.gather [hbm4b:s10+s7], $0x80, s9, s7, $0xb8;
	[tilespmem:$0x12680] =	vst v63  }
0x10: {  	s25 =	simm.s32 $0x180;
	s11 =	simm.s32 $0xC200  }
0x11: {  	v0 =	vimm.f32 $0.0e+00;
	[tilespmem:s11], [sflag:$0x1] =	stream.indirect.gather [hbm4b:s10+s7], $0x80, s25, s7, $0xb8;
	[tilespmem:$0x12680] =	vst v63  }
0x12: {  	[tilespmem:$0x10280] =	vst v0  }
0x13: {  	[tilespmem:$0x10290] =	vst v0  }
0x14: {  	[tilespmem:$0x102A0] =	vst v0  }
0x15: {  	[tilespmem:$0x102B0] =	vst v0  }
0x16: {  	[tilespmem:$0x102C0] =	vst v0  }
0x17: {  	[tilespmem:$0x102D0] =	vst v0  }
0x18: {  	[tilespmem:$0x102E0] =	vst v0  }
0x19: {  	[tilespmem:$0x102F0] =	vst v0  }
0x1a: {  	[tilespmem:$0x10300] =	vst v0  }
0x1b: {  	[tilespmem:$0x10310] =	vst v0  }
0x1c: {  	[tilespmem:$0x10320] =	vst v0  }
0x1d: {  	[tilespmem:$0x10330] =	vst v0  }
0x1e: {  	[tilespmem:$0x10340] =	vst v0  }
0x1f: {  	[tilespmem:$0x10350] =	vst v0  }
0x20: {  	[tilespmem:$0x10360] =	vst v0  }
0x21: {  	[tilespmem:$0x10370] =	vst v0  }
0x22: {  	[tilespmem:$0x10380] =	vst v0  }
0x23: {  	[tilespmem:$0x10390] =	vst v0  }
0x24: {  	[tilespmem:$0x103A0] =	vst v0  }
0x25: {  	[tilespmem:$0x103B0] =	vst v0  }
0x26: {  	[tilespmem:$0x103C0] =	vst v0  }
0x27: {  	[tilespmem:$0x103D0] =	vst v0  }
0x28: {  	[tilespmem:$0x103E0] =	vst v0  }
0x29: {  	[tilespmem:$0x103F0] =	vst v0  }
0x2a: {  	[tilespmem:$0x10400] =	vst v0  }
0x2b: {  	[tilespmem:$0x10410] =	vst v0  }
0x2c: {  	[tilespmem:$0x10420] =	vst v0  }
0x2d: {  	[tilespmem:$0x10430] =	vst v0  }
0x2e: {  	[tilespmem:$0x10440] =	vst v0  }
0x2f: {  	[tilespmem:$0x10450] =	vst v0  }
0x30: {  	[tilespmem:$0x10460] =	vst v0  }
0x31: {  	v63 =	vimm.f32 $1.000000000e+00;
	[tilespmem:$0x10470] =	vst v0  }
0x32: {  	[tilespmem:$0x10200] =	vst v63  }
0x33: {  	[tilespmem:$0x10210] =	vst v63  }
0x34: {  	[tilespmem:$0x10220] =	vst v63  }
0x35: {  	[tilespmem:$0x10230] =	vst v63  }
0x36: {  	[tilespmem:$0x10240] =	vst v63  }
0x37: {  	[tilespmem:$0x10250] =	vst v63  }
0x38: {  	s26 =	sshll.u32 s3, $0x9;
	[tilespmem:$0x10260] =	vst v63  }
0x39: {  	s28 =	simm.s32 $0x10280;
	s10 =	sadd.s32 s26, s2;
	[tilespmem:$0x10270] =	vst v63  }
0x3a: {  	[spmem:s10] =	stream.linear.scatter [tilespmem:s28], [sflag:$0x2], $0x200, $0x38;
	[tilespmem:$0x12680] =	vst v63  }
0x3b: {  	_ =	swait.ge [sflag:s22], $0x200  }
0x3c: {  	[sflag:s22] =	ssyncset.done $0x0  }
0x3d: {  	[sflag:s22] =	ssyncadd.s32 $0xFFFFFE00  }
0x3e: {  	s29 =	simm.s32 $0x10200;
	[bflag:$0x0] =	sbarrier.arrive $0xFFFF  }
0x3f: {  	[spmem:s2] =	stream.indirect.scatter.add.f32 [tilespmem:s29], [sflag:$0x2], $0x1, s4, s7, $0xb8;
	[tilespmem:$0x12680] =	vst v63  }
0x40: {  	_ =	swait.ge [sflag:s22], $0x80  }
0x41: {  	[sflag:s22] =	ssyncset.done $0x0  }
0x42: {  	[sflag:s22] =	ssyncadd.s32 $0xFFFFFF80  }
0x43: {  	[spmem:s2] =	stream.indirect.scatter.add.f32 [tilespmem:s29], [sflag:$0x2], $0x1, s7, s7, $0xb8;
	[tilespmem:$0x12680] =	vst v63  }
0x44: {  	_ =	swait.ge [sflag:s22], $0x80  }
0x45: {  	[sflag:s22] =	ssyncset.done $0x0  }
0x46: {  	[sflag:s22] =	ssyncadd.s32 $0xFFFFFF80  }
0x47: {  	[spmem:s2] =	stream.indirect.scatter.add.f32 [tilespmem:s29], [sflag:$0x2], $0x1, s9, s7, $0xb8;
	[tilespmem:$0x12680] =	vst v63  }
0x48: {  	_ =	swait.ge [sflag:s22], $0x80  }
0x49: {  	[sflag:s22] =	ssyncset.done $0x0  }
0x4a: {  	[sflag:s22] =	ssyncadd.s32 $0xFFFFFF80  }
0x4b: {  	[spmem:s2] =	stream.indirect.scatter.add.f32 [tilespmem:s29], [sflag:$0x2], $0x1, s25, s7, $0xb8;
	[tilespmem:$0x12680] =	vst v63  }
0x4c: {  	_ =	swait.ge [sflag:s22], $0x80  }
0x4d: {  	[sflag:s22] =	ssyncset.done $0x0  }
0x4e: {  	s30 =	simm.s32 $0x1;
	[sflag:s22] =	ssyncadd.s32 $0xFFFFFF80  }
0x4f: {  	_ =	swait.ge [sflag:s30], $0x4000  }
0x50: {  	[sflag:s30] =	ssyncset.done $0x0  }
0x51: {  	[sflag:s30] =	ssyncadd.s32 $0xFFFFC000  }
0x52: {  	_ =	swait.ge [sflag:s30], $0x4000  }
0x53: {  	[sflag:s30] =	ssyncset.done $0x0  }
0x54: {  	[sflag:s30] =	ssyncadd.s32 $0xFFFFC000  }
0x55: {  	_ =	swait.ge [sflag:s30], $0x4000  }
0x56: {  	[sflag:s30] =	ssyncset.done $0x0  }
0x57: {  	[sflag:s30] =	ssyncadd.s32 $0xFFFFC000  }
0x58: {  	s31 =	sshll.u32 s3, $0xD;
	_ =	swait.ge [sflag:s30], $0x4000  }
0x59: {  	s8 =	sadd.s32 s31, s1;
	[sflag:s30] =	ssyncset.done $0x0  }
0x5a: {  	s8 =	sadd.s32 $0x20C00, s8;
	[sflag:s30] =	ssyncadd.s32 $0xFFFFC000  }
0x5b: {  	[hbm4b:s8+s4] =	stream.linear.scatter [tilespmem:s23], [sflag:$0x2], $0x10000, $0x38;
	[tilespmem:$0x12680] =	vst v63  }
0x5c: {  	_ =	swait.ge [sflag:s22], $0x10000  }
0x5d: {  	[sflag:s22] =	ssyncset.done $0x0  }
0x5e: {  	[sflag:s22] =	ssyncadd.s32 $0xFFFF0000  }
0x5f: {  	p0 =	sne.s32 s3, $0x0;
	[bflag:$0x0] =	sbarrier.arrive $0xFFFF  }
0x60: {  	_ =	sfence.sel @p0 $0x180000  }
0x61: {  	[bflag:$0x0] =	sbarrier.arrive @p0 $0xFFFF  }
0x62: {  	_ =	strace @p0 $0x90000047  }
0x63: {  	s3 =	simm.s32 @!p0 $0x10680;
	[bflag:$0x2] =	sbarrier.arrive @p0 $0xFFFF  }
0x64: {  	[tilespmem:s3], [sflag:$0x2] =	stream.linear.gather @!p0 [spmem:s2], $0x2000, $0x38;
	[tilespmem:$0x12680] =	vst v63  }
0x65: {  	s2 =	simm.s32 @!p0 $0x2  }
0x66: {  	_ =	swait.ge @!p0 [sflag:s2], $0x2000  }
0x67: {  	[sflag:s2] =	ssyncset.done @!p0 $0x0  }
0x68: {  	s1 =	sadd.s32 $0x40C00, s1;
	s4 =	simm.s32 @!p0 $0x0;
	[sflag:s2] =	ssyncadd.s32 @!p0 $0xFFFFE000  }
0x69: {  	[hbm4b:s1+s4] =	stream.linear.scatter @!p0 [tilespmem:s3], [sflag:$0x2], $0x2000, $0x38;
	[tilespmem:$0x12680] =	vst v63  }
0x6a: {  	_ =	swait.ge @!p0 [sflag:s2], $0x2000  }
0x6b: {  	[sflag:s2] =	ssyncset.done @!p0 $0x0  }
0x6c: {  	[sflag:s2] =	ssyncadd.s32 @!p0 $0xFFFFE000  }
0x6d: {  	_ =	sfence.sel @!p0 $0x180000  }
0x6e: {  	[bflag:$0x0] =	sbarrier.arrive @!p0 $0xFFFF  }
0x6f: {  	_ =	strace @!p0 $0x90000047  }
0x70: {  	s0 =	sadd.s32 @!p0 $0x100000, s0;
	[bflag:$0x2] =	sbarrier.arrive @!p0 $0xFFFF  }
0x71: {  	[sflag:s0] =	ssyncadd.tile.s32 @!p0 $0x1;
	_ =	shalt  }
.Lfunc_end2:
_tile_overlayer_lowered:
.L_overlay_start_2:
0x72: {  	(tag) =	ssettag $0x2  }
0x73: {  	s0 =	rddreg [dreg:$0x0];
	s2 =	stileid.u32  }
0x74: {  	s1 =	rddreg [dreg:$0x1];
	p0 =	sne.s32 s2, $0x0  }
0x75: {  	s3 =	rddreg [dreg:$0x2];
	[bflag:$0x3] =	sbarrier.arrive $0xFFFF;
	s2 =	simm.s32 @!p0 $0x1C02  }
0x76: {  	[timem:s3], [sflag:s2] =	dma.local @!p0 [hbm:s0], s1  }
0x77: {  	s0 =	simm.s32 @!p0 $0x2  }
0x78: {  	_ =	swait.ge @!p0 [sflag:s0], s1  }
0x79: {  	s1 =	ssub.s32 @!p0 $0x0, s1;
	[sflag:s0] =	ssyncset.done @!p0 $0x0  }
0x7a: {  	[sflag:s0] =	ssyncadd.s32 @!p0 s1  }
0x7b: {  	[bflag:$0x3] =	sbarrier.arrive $0xFFFF  }
0x7c: {  	_ =	shalt  }

</sc_bundles>
